<compile_context>
chip_gen: v7x
topology: tpu7x:2x2x1
jax: 0.10.2.dev20260603
libtpu: 0.0.44.dev20260713+nightly
codegen_flags: <defaults>
</compile_context>

<pallas_src>
import functools
import math

import jax
import jax.numpy as jnp
import numpy as np
from jax import lax
from jax.experimental import pallas as pl
from jax.experimental.pallas import tpu as pltpu
from jax.experimental.pallas import tpu_sc as plsc

B = 4096
L = 50
C = 64
SCALE = math.sqrt(C)

NC = 2
NS = 16
NW = NC * NS

B_PER_W = B // NW
G = 8
CHUNKS = B_PER_W // G
IDX_PER_CHUNK = G * L
GATHER_BATCH = 100
NGB = IDX_PER_CHUNK // GATHER_BATCH
OUT_PER_CHUNK = G * C * L
VECS_PER_B = (C * L) // 16

_f = np.arange(C * L, dtype=np.int32)
PERM_L = _f % L
PERM_C = _f // L


@functools.partial(
    pl.kernel,
    out_type=jax.ShapeDtypeStruct((B * C * L,), jnp.float32),
    mesh=plsc.VectorSubcoreMesh(core_axis_name="c", subcore_axis_name="s"),
    scratch_types=[
        pltpu.VMEM((NGB, GATHER_BATCH), jnp.int32),
        pltpu.VMEM((IDX_PER_CHUNK, C), jnp.float32),
        pltpu.VMEM((OUT_PER_CHUNK,), jnp.float32),
        pltpu.VMEM((C * L,), jnp.int32),
        pltpu.VMEM((C * L,), jnp.int32),
        pltpu.SemaphoreType.DMA,
    ],
    compiler_params=pltpu.CompilerParams(
        use_tc_tiling_on_sc=False, needs_layout_passes=False),
)
def _emb_lookup(x_hbm, perml_hbm, permc_hbm, table_hbm, out_hbm,
                idx_v, rows_v, outbuf, perml_v, permc_v, sem):
    wid = lax.axis_index("s") * NC + lax.axis_index("c")
    pltpu.sync_copy(perml_hbm, perml_v)
    pltpu.sync_copy(permc_hbm, permc_v)
    xrow0 = wid * (B_PER_W * L // GATHER_BATCH)
    obase = wid * (B_PER_W * C * L)

    def chunk_body(k, _):
        pltpu.sync_copy(x_hbm.at[pl.ds(xrow0 + k * NGB, NGB)], idx_v)
        copies = []
        for j in range(NGB):
            copies.append(pltpu.async_copy(
                table_hbm.at[idx_v.at[j]],
                rows_v.at[pl.ds(j * GATHER_BATCH, GATHER_BATCH)],
                sem))
        for cp in copies:
            cp.wait()
        for bofs in range(G):
            rbase = bofs * L
            wbase = bofs * C * L

            def vbody(v, _, rbase=rbase, wbase=wbase):
                s = v * 16
                lvec = perml_v[pl.ds(s, 16)] + rbase
                cvec = permc_v[pl.ds(s, 16)]
                vals = plsc.load_gather(rows_v, [lvec, cvec]) * SCALE
                outbuf[pl.ds(wbase + s, 16)] = vals
                return 0

            lax.fori_loop(0, VECS_PER_B, vbody, 0)
        pltpu.sync_copy(outbuf,
                        out_hbm.at[pl.ds(obase + k * OUT_PER_CHUNK,
                                         OUT_PER_CHUNK)])
        return 0

    lax.fori_loop(0, CHUNKS, chunk_body, 0)


def kernel(x, emb_weight):
    x2 = x.reshape(B * L // GATHER_BATCH, GATHER_BATCH).astype(jnp.int32)
    out_flat = _emb_lookup(x2, jnp.asarray(PERM_L), jnp.asarray(PERM_C),
                           emb_weight)
    return out_flat.reshape(B, C, L)

# --- scband reference (transcript-rebuilt; emitter-appended) ---
"""Pipeline reference for scband-ttslearn-embedding-layer-26448408609356 (READ-ONLY COPY).

The authoritative reference and input builder live on the scoring server;
editing this copy changes nothing except your own understanding.
"""

import math
import jax, jax.numpy as jnp
import numpy as np

N_PHONEME = 1000000
CHANNELS = 64

def setup_inputs(seed: int = 0) -> dict:
    key = jax.random.key(seed)
    k1, k2 = jax.random.split(key)
    x = jax.random.randint(k1, (4096, 50), 0, N_PHONEME, dtype=jnp.int64 if jax.config.jax_enable_x64 else jnp.int32)
    emb_weight = jax.random.normal(k2, (N_PHONEME, CHANNELS), dtype=jnp.float32) * (CHANNELS ** (-0.5))
    return {"x": x, "emb_weight": emb_weight}

def reference(x, emb_weight):
    scale = math.sqrt(CHANNELS)
    out = jnp.take(emb_weight, x, axis=0) * scale  # [B, L, C]
    out = jnp.swapaxes(out, -1, -2)  # [B, C, L]
    return out

if __name__ == "__main__":
    import jax
    _d = setup_inputs()
    print(jax.jit(kernel)(*tuple(_d.values())))

</pallas_src>

<mosaic_0001>
#map = affine_map<(d0, d1) -> (0, 0)>
#map1 = affine_map<(d0, d1) -> (0)>
module attributes {stable_mosaic.version = 14 : i64} {
  func.func @_emb_lookup(%arg0: i32, %arg1: i32, %arg2: memref<2048x100xi32, #tpu.memory_space<hbm>>, %arg3: memref<3200xi32, #tpu.memory_space<hbm>>, %arg4: memref<3200xi32, #tpu.memory_space<hbm>>, %arg5: memref<1000000x64xf32, #tpu.memory_space<hbm>>, %arg6: memref<13107200xf32, #tpu.memory_space<hbm>>, %arg7: memref<4x100xi32, #tpu.memory_space<vmem>>, %arg8: memref<400x64xf32, #tpu.memory_space<vmem>>, %arg9: memref<25600xf32, #tpu.memory_space<vmem>>, %arg10: memref<3200xi32, #tpu.memory_space<vmem>>, %arg11: memref<3200xi32, #tpu.memory_space<vmem>>, %arg12: memref<!tpu.dma_semaphore, #tpu.memory_space<semaphore_mem>>) attributes {dimension_semantics = [#tpu.dimension_semantics<core_parallel>, #tpu.dimension_semantics<subcore_parallel>], iteration_bounds = array<i64: 2, 16>, scalar_prefetch = 0 : i64, scratch_operands = 6 : i64, tpu.core_type = #tpu.core_type<sc_vector_subcore>, window_params = [{transform_indices = #map}, {transform_indices = #map1}, {transform_indices = #map1}, {transform_indices = #map}, {transform_indices = #map1}]} {
    %mul3A = arith.constant 2 : i32
    %mul3A_0 = arith.muli %arg1, %mul3A : i32
    %add3A = arith.addi %mul3A_0, %arg0 : i32
    "tpu.region"() ({
      %run_scoped3A = tpu.sem_alloc : memref<!tpu.dma_semaphore, #tpu.memory_space<semaphore_mem>>
      tpu.enqueue_dma source(%arg3 : memref<3200xi32, #tpu.memory_space<hbm>>) target(%arg10 : memref<3200xi32, #tpu.memory_space<vmem>>) target_semaphore(%run_scoped3A : memref<!tpu.dma_semaphore, #tpu.memory_space<semaphore_mem>>)
      tpu.wait_dma2 semaphore(%run_scoped3A : memref<!tpu.dma_semaphore, #tpu.memory_space<semaphore_mem>>) src(%arg3 : memref<3200xi32, #tpu.memory_space<hbm>>) dst(%arg10 : memref<3200xi32, #tpu.memory_space<vmem>>)
      tpu.yield
    }) : () -> ()
    "tpu.region"() ({
      %run_scoped3A = tpu.sem_alloc : memref<!tpu.dma_semaphore, #tpu.memory_space<semaphore_mem>>
      tpu.enqueue_dma source(%arg4 : memref<3200xi32, #tpu.memory_space<hbm>>) target(%arg11 : memref<3200xi32, #tpu.memory_space<vmem>>) target_semaphore(%run_scoped3A : memref<!tpu.dma_semaphore, #tpu.memory_space<semaphore_mem>>)
      tpu.wait_dma2 semaphore(%run_scoped3A : memref<!tpu.dma_semaphore, #tpu.memory_space<semaphore_mem>>) src(%arg4 : memref<3200xi32, #tpu.memory_space<hbm>>) dst(%arg11 : memref<3200xi32, #tpu.memory_space<vmem>>)
      tpu.yield
    }) : () -> ()
    %mul3A_1 = arith.constant 64 : i32
    %mul3A_2 = arith.muli %add3A, %mul3A_1 : i32
    %mul3A_3 = arith.constant 409600 : i32
    %mul3A_4 = arith.muli %add3A, %mul3A_3 : i32
    %scan3A = arith.constant 0 : i32
    %scan3A_5 = arith.constant 0 : i32
    %scan3A_6 = arith.constant 16 : i32
    %scan3A_7 = arith.addi %scan3A_5, %scan3A_6 : i32
    %scan3A_8 = arith.constant 1 : i32
    %scan3A_9 = scf.for %scan3A_11 = %scan3A_5 to %scan3A_7 step %scan3A_8 iter_args(%scan3A_12 = %scan3A) -> (i32)  : i32 {
      %mul3A_13 = arith.constant 4 : i32
      %mul3A_14 = arith.muli %scan3A_11, %mul3A_13 : i32
      %add3A_15 = arith.addi %mul3A_2, %mul3A_14 : i32
      "tpu.region"() ({
        %run_scoped3A = tpu.sem_alloc : memref<!tpu.dma_semaphore, #tpu.memory_space<semaphore_mem>>
        %dma_start3A_154 = arith.constant 0 : i32
        %dma_start3A_155 = tpu.memref_slice %arg2[%add3A_15, %dma_start3A_154] : memref<2048x100xi32, #tpu.memory_space<hbm>> -> memref<4x100xi32, #tpu.memory_space<hbm>>
        %dma_start3A_156 = arith.constant 0 : i32
        %dma_start3A_157 = tpu.memref_slice %arg2[%add3A_15, %dma_start3A_156] : memref<2048x100xi32, #tpu.memory_space<hbm>> -> memref<4x100xi32, #tpu.memory_space<hbm>>
        tpu.enqueue_dma source(%dma_start3A_157 : memref<4x100xi32, #tpu.memory_space<hbm>>) target(%arg7 : memref<4x100xi32, #tpu.memory_space<vmem>>) target_semaphore(%run_scoped3A : memref<!tpu.dma_semaphore, #tpu.memory_space<semaphore_mem>>)
        %dma_wait3A_158 = arith.constant 0 : i32
        %dma_wait3A_159 = tpu.memref_slice %arg2[%add3A_15, %dma_wait3A_158] : memref<2048x100xi32, #tpu.memory_space<hbm>> -> memref<4x100xi32, #tpu.memory_space<hbm>>
        %dma_wait3A_160 = arith.constant 0 : i32
        %dma_wait3A_161 = tpu.memref_slice %arg2[%add3A_15, %dma_wait3A_160] : memref<2048x100xi32, #tpu.memory_space<hbm>> -> memref<4x100xi32, #tpu.memory_space<hbm>>
        tpu.wait_dma2 semaphore(%run_scoped3A : memref<!tpu.dma_semaphore, #tpu.memory_space<semaphore_mem>>) src(%dma_wait3A_161 : memref<4x100xi32, #tpu.memory_space<hbm>>) dst(%arg7 : memref<4x100xi32, #tpu.memory_space<vmem>>)
        tpu.yield
      }) : () -> ()
      %dma_start3A = arith.constant 0 : i32
      %dma_start3A_16 = arith.constant 0 : i32
      %dma_start3A_17 = arith.constant 0 : i32
      %dma_start3A_18 = tpu.memref_slice %arg8[%dma_start3A_16, %dma_start3A_17] : memref<400x64xf32, #tpu.memory_space<vmem>> -> memref<100x64xf32, #tpu.memory_space<vmem>>
      %dma_start3A_19 = arith.constant 0 : i32
      %dma_start3A_20 = tpu.memref_slice %arg7[%dma_start3A, %dma_start3A_19] : memref<4x100xi32, #tpu.memory_space<vmem>> -> memref<1x100xi32, #tpu.memory_space<vmem>>
      %dma_start3A_21 = tpu.memref_squeeze %dma_start3A_20 : memref<1x100xi32, #tpu.memory_space<vmem>> -> memref<100xi32, #tpu.memory_space<vmem>>
      %dma_start3A_22 = arith.constant 0 : i32
      %dma_start3A_23 = arith.constant 0 : i32
      %dma_start3A_24 = tpu.memref_slice %arg5[%dma_start3A_22, %dma_start3A_23] : memref<1000000x64xf32, #tpu.memory_space<hbm>> -> memref<1000000x64xf32, #tpu.memory_space<hbm>>
      tpu.enqueue_indirect_dma source(%dma_start3A_24 : memref<1000000x64xf32, #tpu.memory_space<hbm>>) target(%dma_start3A_18 : memref<100x64xf32, #tpu.memory_space<vmem>>) offsets(%dma_start3A_21 : memref<100xi32, #tpu.memory_space<vmem>>) semaphore(%arg12 : memref<!tpu.dma_semaphore, #tpu.memory_space<semaphore_mem>>)
      %dma_start3A_25 = arith.constant 1 : i32
      %dma_start3A_26 = arith.constant 100 : i32
      %dma_start3A_27 = arith.constant 0 : i32
      %dma_start3A_28 = tpu.memref_slice %arg8[%dma_start3A_26, %dma_start3A_27] : memref<400x64xf32, #tpu.memory_space<vmem>> -> memref<100x64xf32, #tpu.memory_space<vmem>>
      %dma_start3A_29 = arith.constant 0 : i32
      %dma_start3A_30 = tpu.memref_slice %arg7[%dma_start3A_25, %dma_start3A_29] : memref<4x100xi32, #tpu.memory_space<vmem>> -> memref<1x100xi32, #tpu.memory_space<vmem>>
      %dma_start3A_31 = tpu.memref_squeeze %dma_start3A_30 : memref<1x100xi32, #tpu.memory_space<vmem>> -> memref<100xi32, #tpu.memory_space<vmem>>
      %dma_start3A_32 = arith.constant 0 : i32
      %dma_start3A_33 = arith.constant 0 : i32
      %dma_start3A_34 = tpu.memref_slice %arg5[%dma_start3A_32, %dma_start3A_33] : memref<1000000x64xf32, #tpu.memory_space<hbm>> -> memref<1000000x64xf32, #tpu.memory_space<hbm>>
      tpu.enqueue_indirect_dma source(%dma_start3A_34 : memref<1000000x64xf32, #tpu.memory_space<hbm>>) target(%dma_start3A_28 : memref<100x64xf32, #tpu.memory_space<vmem>>) offsets(%dma_start3A_31 : memref<100xi32, #tpu.memory_space<vmem>>) semaphore(%arg12 : memref<!tpu.dma_semaphore, #tpu.memory_space<semaphore_mem>>)
      %dma_start3A_35 = arith.constant 2 : i32
      %dma_start3A_36 = arith.constant 200 : i32
      %dma_start3A_37 = arith.constant 0 : i32
      %dma_start3A_38 = tpu.memref_slice %arg8[%dma_start3A_36, %dma_start3A_37] : memref<400x64xf32, #tpu.memory_space<vmem>> -> memref<100x64xf32, #tpu.memory_space<vmem>>
      %dma_start3A_39 = arith.constant 0 : i32
      %dma_start3A_40 = tpu.memref_slice %arg7[%dma_start3A_35, %dma_start3A_39] : memref<4x100xi32, #tpu.memory_space<vmem>> -> memref<1x100xi32, #tpu.memory_space<vmem>>
      %dma_start3A_41 = tpu.memref_squeeze %dma_start3A_40 : memref<1x100xi32, #tpu.memory_space<vmem>> -> memref<100xi32, #tpu.memory_space<vmem>>
      %dma_start3A_42 = arith.constant 0 : i32
      %dma_start3A_43 = arith.constant 0 : i32
      %dma_start3A_44 = tpu.memref_slice %arg5[%dma_start3A_42, %dma_start3A_43] : memref<1000000x64xf32, #tpu.memory_space<hbm>> -> memref<1000000x64xf32, #tpu.memory_space<hbm>>
      tpu.enqueue_indirect_dma source(%dma_start3A_44 : memref<1000000x64xf32, #tpu.memory_space<hbm>>) target(%dma_start3A_38 : memref<100x64xf32, #tpu.memory_space<vmem>>) offsets(%dma_start3A_41 : memref<100xi32, #tpu.memory_space<vmem>>) semaphore(%arg12 : memref<!tpu.dma_semaphore, #tpu.memory_space<semaphore_mem>>)
      %dma_start3A_45 = arith.constant 3 : i32
      %dma_start3A_46 = arith.constant 300 : i32
      %dma_start3A_47 = arith.constant 0 : i32
      %dma_start3A_48 = tpu.memref_slice %arg8[%dma_start3A_46, %dma_start3A_47] : memref<400x64xf32, #tpu.memory_space<vmem>> -> memref<100x64xf32, #tpu.memory_space<vmem>>
      %dma_start3A_49 = arith.constant 0 : i32
      %dma_start3A_50 = tpu.memref_slice %arg7[%dma_start3A_45, %dma_start3A_49] : memref<4x100xi32, #tpu.memory_space<vmem>> -> memref<1x100xi32, #tpu.memory_space<vmem>>
      %dma_start3A_51 = tpu.memref_squeeze %dma_start3A_50 : memref<1x100xi32, #tpu.memory_space<vmem>> -> memref<100xi32, #tpu.memory_space<vmem>>
      %dma_start3A_52 = arith.constant 0 : i32
      %dma_start3A_53 = arith.constant 0 : i32
      %dma_start3A_54 = tpu.memref_slice %arg5[%dma_start3A_52, %dma_start3A_53] : memref<1000000x64xf32, #tpu.memory_space<hbm>> -> memref<1000000x64xf32, #tpu.memory_space<hbm>>
      tpu.enqueue_indirect_dma source(%dma_start3A_54 : memref<1000000x64xf32, #tpu.memory_space<hbm>>) target(%dma_start3A_48 : memref<100x64xf32, #tpu.memory_space<vmem>>) offsets(%dma_start3A_51 : memref<100xi32, #tpu.memory_space<vmem>>) semaphore(%arg12 : memref<!tpu.dma_semaphore, #tpu.memory_space<semaphore_mem>>)
      %dma_wait3A = arith.constant 0 : i32
      %dma_wait3A_55 = arith.constant 0 : i32
      %dma_wait3A_56 = arith.constant 0 : i32
      %dma_wait3A_57 = tpu.memref_slice %arg8[%dma_wait3A_55, %dma_wait3A_56] : memref<400x64xf32, #tpu.memory_space<vmem>> -> memref<100x64xf32, #tpu.memory_space<vmem>>
      %dma_wait3A_58 = arith.constant 0 : i32
      %dma_wait3A_59 = tpu.memref_slice %arg7[%dma_wait3A, %dma_wait3A_58] : memref<4x100xi32, #tpu.memory_space<vmem>> -> memref<1x100xi32, #tpu.memory_space<vmem>>
      %dma_wait3A_60 = tpu.memref_squeeze %dma_wait3A_59 : memref<1x100xi32, #tpu.memory_space<vmem>> -> memref<100xi32, #tpu.memory_space<vmem>>
      %dma_wait3A_61 = arith.constant 0 : i32
      %dma_wait3A_62 = arith.constant 0 : i32
      %dma_wait3A_63 = tpu.memref_slice %arg5[%dma_wait3A_61, %dma_wait3A_62] : memref<1000000x64xf32, #tpu.memory_space<hbm>> -> memref<1000000x64xf32, #tpu.memory_space<hbm>>
      tpu.wait_indirect_dma semaphore(%arg12 : memref<!tpu.dma_semaphore, #tpu.memory_space<semaphore_mem>>) src(%dma_wait3A_63 : memref<1000000x64xf32, #tpu.memory_space<hbm>>) dst(%dma_wait3A_57 : memref<100x64xf32, #tpu.memory_space<vmem>>)
      %dma_wait3A_64 = arith.constant 1 : i32
      %dma_wait3A_65 = arith.constant 100 : i32
      %dma_wait3A_66 = arith.constant 0 : i32
      %dma_wait3A_67 = tpu.memref_slice %arg8[%dma_wait3A_65, %dma_wait3A_66] : memref<400x64xf32, #tpu.memory_space<vmem>> -> memref<100x64xf32, #tpu.memory_space<vmem>>
      %dma_wait3A_68 = arith.constant 0 : i32
      %dma_wait3A_69 = tpu.memref_slice %arg7[%dma_wait3A_64, %dma_wait3A_68] : memref<4x100xi32, #tpu.memory_space<vmem>> -> memref<1x100xi32, #tpu.memory_space<vmem>>
      %dma_wait3A_70 = tpu.memref_squeeze %dma_wait3A_69 : memref<1x100xi32, #tpu.memory_space<vmem>> -> memref<100xi32, #tpu.memory_space<vmem>>
      %dma_wait3A_71 = arith.constant 0 : i32
      %dma_wait3A_72 = arith.constant 0 : i32
      %dma_wait3A_73 = tpu.memref_slice %arg5[%dma_wait3A_71, %dma_wait3A_72] : memref<1000000x64xf32, #tpu.memory_space<hbm>> -> memref<1000000x64xf32, #tpu.memory_space<hbm>>
      tpu.wait_indirect_dma semaphore(%arg12 : memref<!tpu.dma_semaphore, #tpu.memory_space<semaphore_mem>>) src(%dma_wait3A_73 : memref<1000000x64xf32, #tpu.memory_space<hbm>>) dst(%dma_wait3A_67 : memref<100x64xf32, #tpu.memory_space<vmem>>)
      %dma_wait3A_74 = arith.constant 2 : i32
      %dma_wait3A_75 = arith.constant 200 : i32
      %dma_wait3A_76 = arith.constant 0 : i32
      %dma_wait3A_77 = tpu.memref_slice %arg8[%dma_wait3A_75, %dma_wait3A_76] : memref<400x64xf32, #tpu.memory_space<vmem>> -> memref<100x64xf32, #tpu.memory_space<vmem>>
      %dma_wait3A_78 = arith.constant 0 : i32
      %dma_wait3A_79 = tpu.memref_slice %arg7[%dma_wait3A_74, %dma_wait3A_78] : memref<4x100xi32, #tpu.memory_space<vmem>> -> memref<1x100xi32, #tpu.memory_space<vmem>>
      %dma_wait3A_80 = tpu.memref_squeeze %dma_wait3A_79 : memref<1x100xi32, #tpu.memory_space<vmem>> -> memref<100xi32, #tpu.memory_space<vmem>>
      %dma_wait3A_81 = arith.constant 0 : i32
      %dma_wait3A_82 = arith.constant 0 : i32
      %dma_wait3A_83 = tpu.memref_slice %arg5[%dma_wait3A_81, %dma_wait3A_82] : memref<1000000x64xf32, #tpu.memory_space<hbm>> -> memref<1000000x64xf32, #tpu.memory_space<hbm>>
      tpu.wait_indirect_dma semaphore(%arg12 : memref<!tpu.dma_semaphore, #tpu.memory_space<semaphore_mem>>) src(%dma_wait3A_83 : memref<1000000x64xf32, #tpu.memory_space<hbm>>) dst(%dma_wait3A_77 : memref<100x64xf32, #tpu.memory_space<vmem>>)
      %dma_wait3A_84 = arith.constant 3 : i32
      %dma_wait3A_85 = arith.constant 300 : i32
      %dma_wait3A_86 = arith.constant 0 : i32
      %dma_wait3A_87 = tpu.memref_slice %arg8[%dma_wait3A_85, %dma_wait3A_86] : memref<400x64xf32, #tpu.memory_space<vmem>> -> memref<100x64xf32, #tpu.memory_space<vmem>>
      %dma_wait3A_88 = arith.constant 0 : i32
      %dma_wait3A_89 = tpu.memref_slice %arg7[%dma_wait3A_84, %dma_wait3A_88] : memref<4x100xi32, #tpu.memory_space<vmem>> -> memref<1x100xi32, #tpu.memory_space<vmem>>
      %dma_wait3A_90 = tpu.memref_squeeze %dma_wait3A_89 : memref<1x100xi32, #tpu.memory_space<vmem>> -> memref<100xi32, #tpu.memory_space<vmem>>
      %dma_wait3A_91 = arith.constant 0 : i32
      %dma_wait3A_92 = arith.constant 0 : i32
      %dma_wait3A_93 = tpu.memref_slice %arg5[%dma_wait3A_91, %dma_wait3A_92] : memref<1000000x64xf32, #tpu.memory_space<hbm>> -> memref<1000000x64xf32, #tpu.memory_space<hbm>>
      tpu.wait_indirect_dma semaphore(%arg12 : memref<!tpu.dma_semaphore, #tpu.memory_space<semaphore_mem>>) src(%dma_wait3A_93 : memref<1000000x64xf32, #tpu.memory_space<hbm>>) dst(%dma_wait3A_87 : memref<100x64xf32, #tpu.memory_space<vmem>>)
      %scan3A_94 = arith.constant 0 : i32
      %scan3A_95 = arith.constant 0 : i32
      %scan3A_96 = arith.constant 200 : i32
      %scan3A_97 = arith.addi %scan3A_95, %scan3A_96 : i32
      %scan3A_98 = arith.constant 1 : i32
      %scan3A_99 = scf.for %scan3A_154 = %scan3A_95 to %scan3A_97 step %scan3A_98 iter_args(%scan3A_155 = %scan3A_94) -> (i32)  : i32 {
        %mul3A_156 = arith.constant 16 : i32
        %mul3A_157 = arith.muli %scan3A_154, %mul3A_156 : i32
        %get3A = arith.index_cast %mul3A_157 : i32 to index
        %get3A_158 = tpu.vector_load %arg10[%get3A] {strides = array<i32>} : memref<3200xi32, #tpu.memory_space<vmem>>, vector<16xi32>,
        %add3A_159 = arith.constant 0 : i32
        %add3A_160 = vector.broadcast %add3A_159 : i32 to vector<16xi32>
        %add3A_161 = arith.addi %get3A_158, %add3A_160 : vector<16xi32>
        %get3A_162 = arith.index_cast %mul3A_157 : i32 to index
        %get3A_163 = tpu.vector_load %arg11[%get3A_162] {strides = array<i32>} : memref<3200xi32, #tpu.memory_space<vmem>>, vector<16xi32>,
        %gather3A = tpu.vector_load_idx %arg8[%add3A_161, %get3A_163] : memref<400x64xf32, #tpu.memory_space<vmem>>[vector<16xi32>, vector<16xi32>], vector<16xf32>,
        %mul3A_164 = arith.constant 8.000000e+00 : f32
        %mul3A_165 = vector.broadcast %mul3A_164 : f32 to vector<16xf32>
        %mul3A_166 = arith.mulf %gather3A, %mul3A_165 : vector<16xf32>
        %add3A_167 = arith.constant 0 : i32
        %add3A_168 = arith.addi %add3A_167, %mul3A_157 : i32
        %swap3A = arith.index_cast %add3A_168 : i32 to index
        %swap3A_169 = tpu.vector_load %arg9[%swap3A] {strides = array<i32>} : memref<25600xf32, #tpu.memory_space<vmem>>, vector<16xf32>,
        tpu.vector_store %arg9[%swap3A], %mul3A_166 {strides = array<i32>} : memref<25600xf32, #tpu.memory_space<vmem>>, vector<16xf32>,
        %scan3A_170 = arith.constant 0 : i32
        scf.yield %scan3A_170 : i32
      }
      %scan3A_100 = arith.constant 200 : i32
      %scan3A_101 = arith.constant 0 : i32
      %scan3A_102 = arith.constant 0 : i32
      %scan3A_103 = arith.constant 200 : i32
      %scan3A_104 = arith.addi %scan3A_102, %scan3A_103 : i32
      %scan3A_105 = arith.constant 1 : i32
      %scan3A_106 = scf.for %scan3A_154 = %scan3A_102 to %scan3A_104 step %scan3A_105 iter_args(%scan3A_155 = %scan3A_101) -> (i32)  : i32 {
        %mul3A_156 = arith.constant 16 : i32
        %mul3A_157 = arith.muli %scan3A_154, %mul3A_156 : i32
        %get3A = arith.index_cast %mul3A_157 : i32 to index
        %get3A_158 = tpu.vector_load %arg10[%get3A] {strides = array<i32>} : memref<3200xi32, #tpu.memory_space<vmem>>, vector<16xi32>,
        %add3A_159 = arith.constant 50 : i32
        %add3A_160 = vector.broadcast %add3A_159 : i32 to vector<16xi32>
        %add3A_161 = arith.addi %get3A_158, %add3A_160 : vector<16xi32>
        %get3A_162 = arith.index_cast %mul3A_157 : i32 to index
        %get3A_163 = tpu.vector_load %arg11[%get3A_162] {strides = array<i32>} : memref<3200xi32, #tpu.memory_space<vmem>>, vector<16xi32>,
        %gather3A = tpu.vector_load_idx %arg8[%add3A_161, %get3A_163] : memref<400x64xf32, #tpu.memory_space<vmem>>[vector<16xi32>, vector<16xi32>], vector<16xf32>,
        %mul3A_164 = arith.constant 8.000000e+00 : f32
        %mul3A_165 = vector.broadcast %mul3A_164 : f32 to vector<16xf32>
        %mul3A_166 = arith.mulf %gather3A, %mul3A_165 : vector<16xf32>
        %add3A_167 = arith.constant 3200 : i32
        %add3A_168 = arith.addi %add3A_167, %mul3A_157 : i32
        %swap3A = arith.index_cast %add3A_168 : i32 to index
        %swap3A_169 = tpu.vector_load %arg9[%swap3A] {strides = array<i32>} : memref<25600xf32, #tpu.memory_space<vmem>>, vector<16xf32>,
        tpu.vector_store %arg9[%swap3A], %mul3A_166 {strides = array<i32>} : memref<25600xf32, #tpu.memory_space<vmem>>, vector<16xf32>,
        %scan3A_170 = arith.constant 0 : i32
        scf.yield %scan3A_170 : i32
      }
      %scan3A_107 = arith.constant 200 : i32
      %scan3A_108 = arith.constant 0 : i32
      %scan3A_109 = arith.constant 0 : i32
      %scan3A_110 = arith.constant 200 : i32
      %scan3A_111 = arith.addi %scan3A_109, %scan3A_110 : i32
      %scan3A_112 = arith.constant 1 : i32
      %scan3A_113 = scf.for %scan3A_154 = %scan3A_109 to %scan3A_111 step %scan3A_112 iter_args(%scan3A_155 = %scan3A_108) -> (i32)  : i32 {
        %mul3A_156 = arith.constant 16 : i32
        %mul3A_157 = arith.muli %scan3A_154, %mul3A_156 : i32
        %get3A = arith.index_cast %mul3A_157 : i32 to index
        %get3A_158 = tpu.vector_load %arg10[%get3A] {strides = array<i32>} : memref<3200xi32, #tpu.memory_space<vmem>>, vector<16xi32>,
        %add3A_159 = arith.constant 100 : i32
        %add3A_160 = vector.broadcast %add3A_159 : i32 to vector<16xi32>
        %add3A_161 = arith.addi %get3A_158, %add3A_160 : vector<16xi32>
        %get3A_162 = arith.index_cast %mul3A_157 : i32 to index
        %get3A_163 = tpu.vector_load %arg11[%get3A_162] {strides = array<i32>} : memref<3200xi32, #tpu.memory_space<vmem>>, vector<16xi32>,
        %gather3A = tpu.vector_load_idx %arg8[%add3A_161, %get3A_163] : memref<400x64xf32, #tpu.memory_space<vmem>>[vector<16xi32>, vector<16xi32>], vector<16xf32>,
        %mul3A_164 = arith.constant 8.000000e+00 : f32
        %mul3A_165 = vector.broadcast %mul3A_164 : f32 to vector<16xf32>
        %mul3A_166 = arith.mulf %gather3A, %mul3A_165 : vector<16xf32>
        %add3A_167 = arith.constant 6400 : i32
        %add3A_168 = arith.addi %add3A_167, %mul3A_157 : i32
        %swap3A = arith.index_cast %add3A_168 : i32 to index
        %swap3A_169 = tpu.vector_load %arg9[%swap3A] {strides = array<i32>} : memref<25600xf32, #tpu.memory_space<vmem>>, vector<16xf32>,
        tpu.vector_store %arg9[%swap3A], %mul3A_166 {strides = array<i32>} : memref<25600xf32, #tpu.memory_space<vmem>>, vector<16xf32>,
        %scan3A_170 = arith.constant 0 : i32
        scf.yield %scan3A_170 : i32
      }
      %scan3A_114 = arith.constant 200 : i32
      %scan3A_115 = arith.constant 0 : i32
      %scan3A_116 = arith.constant 0 : i32
      %scan3A_117 = arith.constant 200 : i32
      %scan3A_118 = arith.addi %scan3A_116, %scan3A_117 : i32
      %scan3A_119 = arith.constant 1 : i32
      %scan3A_120 = scf.for %scan3A_154 = %scan3A_116 to %scan3A_118 step %scan3A_119 iter_args(%scan3A_155 = %scan3A_115) -> (i32)  : i32 {
        %mul3A_156 = arith.constant 16 : i32
        %mul3A_157 = arith.muli %scan3A_154, %mul3A_156 : i32
        %get3A = arith.index_cast %mul3A_157 : i32 to index
        %get3A_158 = tpu.vector_load %arg10[%get3A] {strides = array<i32>} : memref<3200xi32, #tpu.memory_space<vmem>>, vector<16xi32>,
        %add3A_159 = arith.constant 150 : i32
        %add3A_160 = vector.broadcast %add3A_159 : i32 to vector<16xi32>
        %add3A_161 = arith.addi %get3A_158, %add3A_160 : vector<16xi32>
        %get3A_162 = arith.index_cast %mul3A_157 : i32 to index
        %get3A_163 = tpu.vector_load %arg11[%get3A_162] {strides = array<i32>} : memref<3200xi32, #tpu.memory_space<vmem>>, vector<16xi32>,
        %gather3A = tpu.vector_load_idx %arg8[%add3A_161, %get3A_163] : memref<400x64xf32, #tpu.memory_space<vmem>>[vector<16xi32>, vector<16xi32>], vector<16xf32>,
        %mul3A_164 = arith.constant 8.000000e+00 : f32
        %mul3A_165 = vector.broadcast %mul3A_164 : f32 to vector<16xf32>
        %mul3A_166 = arith.mulf %gather3A, %mul3A_165 : vector<16xf32>
        %add3A_167 = arith.constant 9600 : i32
        %add3A_168 = arith.addi %add3A_167, %mul3A_157 : i32
        %swap3A = arith.index_cast %add3A_168 : i32 to index
        %swap3A_169 = tpu.vector_load %arg9[%swap3A] {strides = array<i32>} : memref<25600xf32, #tpu.memory_space<vmem>>, vector<16xf32>,
        tpu.vector_store %arg9[%swap3A], %mul3A_166 {strides = array<i32>} : memref<25600xf32, #tpu.memory_space<vmem>>, vector<16xf32>,
        %scan3A_170 = arith.constant 0 : i32
        scf.yield %scan3A_170 : i32
      }
      %scan3A_121 = arith.constant 200 : i32
      %scan3A_122 = arith.constant 0 : i32
      %scan3A_123 = arith.constant 0 : i32
      %scan3A_124 = arith.constant 200 : i32
      %scan3A_125 = arith.addi %scan3A_123, %scan3A_124 : i32
      %scan3A_126 = arith.constant 1 : i32
      %scan3A_127 = scf.for %scan3A_154 = %scan3A_123 to %scan3A_125 step %scan3A_126 iter_args(%scan3A_155 = %scan3A_122) -> (i32)  : i32 {
        %mul3A_156 = arith.constant 16 : i32
        %mul3A_157 = arith.muli %scan3A_154, %mul3A_156 : i32
        %get3A = arith.index_cast %mul3A_157 : i32 to index
        %get3A_158 = tpu.vector_load %arg10[%get3A] {strides = array<i32>} : memref<3200xi32, #tpu.memory_space<vmem>>, vector<16xi32>,
        %add3A_159 = arith.constant 200 : i32
        %add3A_160 = vector.broadcast %add3A_159 : i32 to vector<16xi32>
        %add3A_161 = arith.addi %get3A_158, %add3A_160 : vector<16xi32>
        %get3A_162 = arith.index_cast %mul3A_157 : i32 to index
        %get3A_163 = tpu.vector_load %arg11[%get3A_162] {strides = array<i32>} : memref<3200xi32, #tpu.memory_space<vmem>>, vector<16xi32>,
        %gather3A = tpu.vector_load_idx %arg8[%add3A_161, %get3A_163] : memref<400x64xf32, #tpu.memory_space<vmem>>[vector<16xi32>, vector<16xi32>], vector<16xf32>,
        %mul3A_164 = arith.constant 8.000000e+00 : f32
        %mul3A_165 = vector.broadcast %mul3A_164 : f32 to vector<16xf32>
        %mul3A_166 = arith.mulf %gather3A, %mul3A_165 : vector<16xf32>
        %add3A_167 = arith.constant 12800 : i32
        %add3A_168 = arith.addi %add3A_167, %mul3A_157 : i32
        %swap3A = arith.index_cast %add3A_168 : i32 to index
        %swap3A_169 = tpu.vector_load %arg9[%swap3A] {strides = array<i32>} : memref<25600xf32, #tpu.memory_space<vmem>>, vector<16xf32>,
        tpu.vector_store %arg9[%swap3A], %mul3A_166 {strides = array<i32>} : memref<25600xf32, #tpu.memory_space<vmem>>, vector<16xf32>,
        %scan3A_170 = arith.constant 0 : i32
        scf.yield %scan3A_170 : i32
      }
      %scan3A_128 = arith.constant 200 : i32
      %scan3A_129 = arith.constant 0 : i32
      %scan3A_130 = arith.constant 0 : i32
      %scan3A_131 = arith.constant 200 : i32
      %scan3A_132 = arith.addi %scan3A_130, %scan3A_131 : i32
      %scan3A_133 = arith.constant 1 : i32
      %scan3A_134 = scf.for %scan3A_154 = %scan3A_130 to %scan3A_132 step %scan3A_133 iter_args(%scan3A_155 = %scan3A_129) -> (i32)  : i32 {
        %mul3A_156 = arith.constant 16 : i32
        %mul3A_157 = arith.muli %scan3A_154, %mul3A_156 : i32
        %get3A = arith.index_cast %mul3A_157 : i32 to index
        %get3A_158 = tpu.vector_load %arg10[%get3A] {strides = array<i32>} : memref<3200xi32, #tpu.memory_space<vmem>>, vector<16xi32>,
        %add3A_159 = arith.constant 250 : i32
        %add3A_160 = vector.broadcast %add3A_159 : i32 to vector<16xi32>
        %add3A_161 = arith.addi %get3A_158, %add3A_160 : vector<16xi32>
        %get3A_162 = arith.index_cast %mul3A_157 : i32 to index
        %get3A_163 = tpu.vector_load %arg11[%get3A_162] {strides = array<i32>} : memref<3200xi32, #tpu.memory_space<vmem>>, vector<16xi32>,
        %gather3A = tpu.vector_load_idx %arg8[%add3A_161, %get3A_163] : memref<400x64xf32, #tpu.memory_space<vmem>>[vector<16xi32>, vector<16xi32>], vector<16xf32>,
        %mul3A_164 = arith.constant 8.000000e+00 : f32
        %mul3A_165 = vector.broadcast %mul3A_164 : f32 to vector<16xf32>
        %mul3A_166 = arith.mulf %gather3A, %mul3A_165 : vector<16xf32>
        %add3A_167 = arith.constant 16000 : i32
        %add3A_168 = arith.addi %add3A_167, %mul3A_157 : i32
        %swap3A = arith.index_cast %add3A_168 : i32 to index
        %swap3A_169 = tpu.vector_load %arg9[%swap3A] {strides = array<i32>} : memref<25600xf32, #tpu.memory_space<vmem>>, vector<16xf32>,
        tpu.vector_store %arg9[%swap3A], %mul3A_166 {strides = array<i32>} : memref<25600xf32, #tpu.memory_space<vmem>>, vector<16xf32>,
        %scan3A_170 = arith.constant 0 : i32
        scf.yield %scan3A_170 : i32
      }
      %scan3A_135 = arith.constant 200 : i32
      %scan3A_136 = arith.constant 0 : i32
      %scan3A_137 = arith.constant 0 : i32
      %scan3A_138 = arith.constant 200 : i32
      %scan3A_139 = arith.addi %scan3A_137, %scan3A_138 : i32
      %scan3A_140 = arith.constant 1 : i32
      %scan3A_141 = scf.for %scan3A_154 = %scan3A_137 to %scan3A_139 step %scan3A_140 iter_args(%scan3A_155 = %scan3A_136) -> (i32)  : i32 {
        %mul3A_156 = arith.constant 16 : i32
        %mul3A_157 = arith.muli %scan3A_154, %mul3A_156 : i32
        %get3A = arith.index_cast %mul3A_157 : i32 to index
        %get3A_158 = tpu.vector_load %arg10[%get3A] {strides = array<i32>} : memref<3200xi32, #tpu.memory_space<vmem>>, vector<16xi32>,
        %add3A_159 = arith.constant 300 : i32
        %add3A_160 = vector.broadcast %add3A_159 : i32 to vector<16xi32>
        %add3A_161 = arith.addi %get3A_158, %add3A_160 : vector<16xi32>
        %get3A_162 = arith.index_cast %mul3A_157 : i32 to index
        %get3A_163 = tpu.vector_load %arg11[%get3A_162] {strides = array<i32>} : memref<3200xi32, #tpu.memory_space<vmem>>, vector<16xi32>,
        %gather3A = tpu.vector_load_idx %arg8[%add3A_161, %get3A_163] : memref<400x64xf32, #tpu.memory_space<vmem>>[vector<16xi32>, vector<16xi32>], vector<16xf32>,
        %mul3A_164 = arith.constant 8.000000e+00 : f32
        %mul3A_165 = vector.broadcast %mul3A_164 : f32 to vector<16xf32>
        %mul3A_166 = arith.mulf %gather3A, %mul3A_165 : vector<16xf32>
        %add3A_167 = arith.constant 19200 : i32
        %add3A_168 = arith.addi %add3A_167, %mul3A_157 : i32
        %swap3A = arith.index_cast %add3A_168 : i32 to index
        %swap3A_169 = tpu.vector_load %arg9[%swap3A] {strides = array<i32>} : memref<25600xf32, #tpu.memory_space<vmem>>, vector<16xf32>,
        tpu.vector_store %arg9[%swap3A], %mul3A_166 {strides = array<i32>} : memref<25600xf32, #tpu.memory_space<vmem>>, vector<16xf32>,
        %scan3A_170 = arith.constant 0 : i32
        scf.yield %scan3A_170 : i32
      }
      %scan3A_142 = arith.constant 200 : i32
      %scan3A_143 = arith.constant 0 : i32
      %scan3A_144 = arith.constant 0 : i32
      %scan3A_145 = arith.constant 200 : i32
      %scan3A_146 = arith.addi %scan3A_144, %scan3A_145 : i32
      %scan3A_147 = arith.constant 1 : i32
      %scan3A_148 = scf.for %scan3A_154 = %scan3A_144 to %scan3A_146 step %scan3A_147 iter_args(%scan3A_155 = %scan3A_143) -> (i32)  : i32 {
        %mul3A_156 = arith.constant 16 : i32
        %mul3A_157 = arith.muli %scan3A_154, %mul3A_156 : i32
        %get3A = arith.index_cast %mul3A_157 : i32 to index
        %get3A_158 = tpu.vector_load %arg10[%get3A] {strides = array<i32>} : memref<3200xi32, #tpu.memory_space<vmem>>, vector<16xi32>,
        %add3A_159 = arith.constant 350 : i32
        %add3A_160 = vector.broadcast %add3A_159 : i32 to vector<16xi32>
        %add3A_161 = arith.addi %get3A_158, %add3A_160 : vector<16xi32>
        %get3A_162 = arith.index_cast %mul3A_157 : i32 to index
        %get3A_163 = tpu.vector_load %arg11[%get3A_162] {strides = array<i32>} : memref<3200xi32, #tpu.memory_space<vmem>>, vector<16xi32>,
        %gather3A = tpu.vector_load_idx %arg8[%add3A_161, %get3A_163] : memref<400x64xf32, #tpu.memory_space<vmem>>[vector<16xi32>, vector<16xi32>], vector<16xf32>,
        %mul3A_164 = arith.constant 8.000000e+00 : f32
        %mul3A_165 = vector.broadcast %mul3A_164 : f32 to vector<16xf32>
        %mul3A_166 = arith.mulf %gather3A, %mul3A_165 : vector<16xf32>
        %add3A_167 = arith.constant 22400 : i32
        %add3A_168 = arith.addi %add3A_167, %mul3A_157 : i32
        %swap3A = arith.index_cast %add3A_168 : i32 to index
        %swap3A_169 = tpu.vector_load %arg9[%swap3A] {strides = array<i32>} : memref<25600xf32, #tpu.memory_space<vmem>>, vector<16xf32>,
        tpu.vector_store %arg9[%swap3A], %mul3A_166 {strides = array<i32>} : memref<25600xf32, #tpu.memory_space<vmem>>, vector<16xf32>,
        %scan3A_170 = arith.constant 0 : i32
        scf.yield %scan3A_170 : i32
      }
      %scan3A_149 = arith.constant 200 : i32
      %mul3A_150 = arith.constant 25600 : i32
      %mul3A_151 = arith.muli %scan3A_11, %mul3A_150 : i32
      %add3A_152 = arith.addi %mul3A_4, %mul3A_151 : i32
      "tpu.region"() ({
        %run_scoped3A = tpu.sem_alloc : memref<!tpu.dma_semaphore, #tpu.memory_space<semaphore_mem>>
        %dma_start3A_154 = tpu.memref_slice %arg6[%add3A_152] : memref<13107200xf32, #tpu.memory_space<hbm>> -> memref<25600xf32, #tpu.memory_space<hbm>>
        %dma_start3A_155 = tpu.memref_slice %arg6[%add3A_152] : memref<13107200xf32, #tpu.memory_space<hbm>> -> memref<25600xf32, #tpu.memory_space<hbm>>
        tpu.enqueue_dma source(%arg9 : memref<25600xf32, #tpu.memory_space<vmem>>) target(%dma_start3A_155 : memref<25600xf32, #tpu.memory_space<hbm>>) target_semaphore(%run_scoped3A : memref<!tpu.dma_semaphore, #tpu.memory_space<semaphore_mem>>)
        %dma_wait3A_156 = tpu.memref_slice %arg6[%add3A_152] : memref<13107200xf32, #tpu.memory_space<hbm>> -> memref<25600xf32, #tpu.memory_space<hbm>>
        %dma_wait3A_157 = tpu.memref_slice %arg6[%add3A_152] : memref<13107200xf32, #tpu.memory_space<hbm>> -> memref<25600xf32, #tpu.memory_space<hbm>>
        tpu.wait_dma2 semaphore(%run_scoped3A : memref<!tpu.dma_semaphore, #tpu.memory_space<semaphore_mem>>) src(%arg9 : memref<25600xf32, #tpu.memory_space<vmem>>) dst(%dma_wait3A_157 : memref<25600xf32, #tpu.memory_space<hbm>>)
        tpu.yield
      }) : () -> ()
      %scan3A_153 = arith.constant 0 : i32
      scf.yield %scan3A_153 : i32
    }
    %scan3A_10 = arith.constant 16 : i32
    return
  }
}

</mosaic_0001>

<sc_bundles>
// kernel: kernel.3.cloned.1.call-start
scs
__scs_entry_jumppad:
0x0: {  	(pc) =	sbr.rel $0x88, $3  }
0x1: {  	(tag) =	ssettag $0x0;
	lr =	simm.s32 $0x1  }
0x2: {  	[smem:$0x3F9F] =	sst lr;
	_ =	strace $0xD0000000  }
0x3: {  	_ = 	snop  }
0x4: {  	_ = 	snop  }
0x5: {  	_ = 	snop  }
0x6: {  	_ = 	snop  }
0x7: {  	_ = 	snop  }
__scs_overlays_trampoline_lowered:
0x8: {  	[smem:$0x3FAE] =	sst s0  }
0x9: {  	[smem:$0x3FAF] =	sst s1  }
0xa: {  	[smem:$0x3FB0] =	sst s2  }
0xb: {  	[smem:$0x3FB1] =	sst s3  }
0xc: {  	[smem:$0x3FB2] =	sst s4  }
0xd: {  	[smem:$0x3FB3] =	sst s5  }
0xe: {  	[smem:$0x3FB4] =	sst s6  }
0xf: {  	[smem:$0x3FB5] =	sst s7  }
0x10: {  	[smem:$0x3FB6] =	sst s8  }
0x11: {  	[smem:$0x3FB7] =	sst s9;
	s0 =	simm.s32 @!p0 $0x0  }
0x12: {  	s1 =	sld [smem:$0x3F9D];
	s0 =	simm.s32 @p0 $0x1  }
0x13: {  	[smem:$0x3FB8] =	sst s0;
	s0 =	simm.s32 @!p1 $0x0  }
0x14: {  	s2 =	sld [smem:$0x3F9C];
	s0 =	simm.s32 @p1 $0x1  }
0x15: {  	[smem:$0x3FB9] =	sst s0;
	s0 =	simm.s32 @!p2 $0x0  }
0x16: {  	s3 =	sld [smem:$0x3FDB];
	s0 =	simm.s32 @p2 $0x1  }
0x17: {  	s4 =	simm.s32 $0x1BF5;
	[smem:$0x3FBB] =	sst s0  }
0x18: {  	s0 =	sld [smem:$0x3F9E];
	_ =	swait.ge [sflag:s4], $0x0  }
0x19: {  	s7 =	sld [smem:$0x3F9F]  }
0x1a: {  	s8 =	sadd.s32 $0xFFFFE003, lr  }
0x1b: {  	s9 =	sadd.s32 $0xFFFFFEF7, lr;
	s5 =	simm.s32 $0xFFFFFFFF;
	p2 =	slt.u32 s8, $0xFFFFF086  }
0x1c: {  	p1 =	slt.u32 s9, $0xF7A;
	s5 =	simm.s32 @!p2 $0x0  }
0x1d: {  	s5 =	simm.s32 @p1 $0x1;
	p0 =	seq.s32 s7, s2  }
0x1e: {  	s7 =	smul.u32 @!p0 $0xF7A, s2;
	p2 =	seq.s32 @!p0 s5, $0x0  }
0x1f: {  	s9 =	smul.u32 $0xF7A, s1;
	s8 =	simm.s32 @!p0 $0x1BF5;
	p2 =	por !p2, p0  }
0x20: {  	[sflag:s8] =	ssyncset.s32 @!p0 $0xFFFFF086;
	s6 =	sadd.s32 @!p0 s3, s7;
	s7 =	simm.s32 @!p0 $0x108  }
0x21: {  	s3 =	sadd.s32 s3, s9;
	s6 =	sadd.s32 @!p0 $0x88, s6;
	s7 =	simm.s32 @p2 $0x1082  }
0x22: {  	[simem:s7], [sflag:s8] =	dma.local @!p0 [hbm:s6], $0xF7A  }
0x23: {  	s9 =	sor.u32 $0xD0000000, s2;
	s6 =	simm.s32 $0x108;
	_ =	swait.ge @!p0 [sflag:s8], $0x0  }
0x24: {  	s3 =	sadd.s32 $0x88, s3;
	s6 =	simm.s32 @!p1 $0x1082;
	[sflag:s4] =	ssyncset.s32 $0xFFFFF086  }
0x25: {  	[simem:s6], [sflag:s4] =	dma.local [hbm:s3], $0xF7A  }
0x26: {  	[smem:$0x3F9F] =	sst s1;
	(tag) =	ssettag s2;
	_ =	strace s9  }
0x27: {  	s1 =	sld [smem:$0x3FAF]  }
0x28: {  	s2 =	sld [smem:$0x3FB0]  }
0x29: {  	s4 =	sld [smem:$0x3FB2]  }
0x2a: {  	p0 =	seq.s32 s5, $0x0;
	s5 =	sld [smem:$0x3FB3]  }
0x2b: {  	s6 =	sld [smem:$0x3FB4]  }
0x2c: {  	s7 =	sld [smem:$0x3FB5]  }
0x2d: {  	s3 =	simm.s32 $0x108;
	s8 =	sld [smem:$0x3FB6]  }
0x2e: {  	s3 =	simm.s32 @!p0 $0x1082;
	s9 =	sld [smem:$0x3FB7]  }
0x2f: {  	lr =	sadd.s32 s0, s3;
	s0 =	sld [smem:$0x3FAE]  }
0x30: {  	s3 =	sld [smem:$0x3FB1]  }
0x31: {  	[smem:$0x3FBA] =	sst s10  }
0x32: {  	s10 =	sld [smem:$0x3FB8];
	_ =	sdelay $0x3  }
0x33: {  	p0 =	seq.s32 s10, $0x1;
	s10 =	sld [smem:$0x3FBA];
	_ =	sdelay $0x3  }
0x34: {  	[smem:$0x3FBA] =	sst s10  }
0x35: {  	s10 =	sld [smem:$0x3FB9];
	_ =	sdelay $0x3  }
0x36: {  	p1 =	seq.s32 s10, $0x1;
	s10 =	sld [smem:$0x3FBA];
	_ =	sdelay $0x3  }
0x37: {  	[smem:$0x3FBA] =	sst s10  }
0x38: {  	s10 =	sld [smem:$0x3FBB]  }
0x39: {  	_ = 	snop;
	(pc) =	sbr.ind lr, $3  }
0x3a: {  	_ = 	snop  }
0x3b: {  	_ = 	snop  }
0x3c: {  	p2 =	seq.s32 s10, $0x1;
	s10 =	sld [smem:$0x3FBA]  }
0x3d: {  	_ =	shalt  }
0x3e: {  	_ =	shalt  }
0x3f: {  	_ =	shalt  }
0x40: {  	_ =	shalt  }
0x41: {  	_ =	shalt  }
0x42: {  	_ =	shalt  }
0x43: {  	_ =	shalt  }
0x44: {  	_ =	shalt  }
0x45: {  	_ =	shalt  }
0x46: {  	_ =	shalt  }
0x47: {  	_ =	shalt  }
0x48: {  	_ =	shalt  }
0x49: {  	_ =	shalt  }
0x4a: {  	_ =	shalt  }
0x4b: {  	_ =	shalt  }
0x4c: {  	_ =	shalt  }
0x4d: {  	_ =	shalt  }
0x4e: {  	_ =	shalt  }
0x4f: {  	_ =	shalt  }
0x50: {  	_ =	shalt  }
0x51: {  	_ =	shalt  }
0x52: {  	_ =	shalt  }
0x53: {  	_ =	shalt  }
0x54: {  	_ =	shalt  }
0x55: {  	_ =	shalt  }
0x56: {  	_ =	shalt  }
0x57: {  	_ =	shalt  }
0x58: {  	_ =	shalt  }
0x59: {  	_ =	shalt  }
0x5a: {  	_ =	shalt  }
0x5b: {  	_ =	shalt  }
0x5c: {  	_ =	shalt  }
0x5d: {  	_ =	shalt  }
0x5e: {  	_ =	shalt  }
0x5f: {  	_ =	shalt  }
0x60: {  	_ =	shalt  }
0x61: {  	_ =	shalt  }
0x62: {  	_ =	shalt  }
0x63: {  	_ =	shalt  }
0x64: {  	_ =	shalt  }
0x65: {  	_ =	shalt  }
0x66: {  	_ =	shalt  }
0x67: {  	_ =	shalt  }
0x68: {  	_ =	shalt  }
0x69: {  	_ =	shalt  }
0x6a: {  	_ =	shalt  }
0x6b: {  	_ =	shalt  }
0x6c: {  	_ =	shalt  }
0x6d: {  	_ =	shalt  }
0x6e: {  	_ =	shalt  }
0x6f: {  	_ =	shalt  }
0x70: {  	_ =	shalt  }
0x71: {  	_ =	shalt  }
0x72: {  	_ =	shalt  }
0x73: {  	_ =	shalt  }
0x74: {  	_ =	shalt  }
0x75: {  	_ =	shalt  }
0x76: {  	_ =	shalt  }
0x77: {  	_ =	shalt  }
0x78: {  	_ =	shalt  }
0x79: {  	_ =	shalt  }
0x7a: {  	_ =	shalt  }
0x7b: {  	_ =	shalt  }
0x7c: {  	_ =	shalt  }
0x7d: {  	_ =	shalt  }
0x7e: {  	_ =	shalt  }
0x7f: {  	_ =	shalt  }
0x80: {  	_ =	shalt  }
0x81: {  	_ =	shalt  }
0x82: {  	_ =	shalt  }
0x83: {  	_ =	shalt  }
0x84: {  	_ =	shalt  }
0x85: {  	_ =	shalt  }
0x86: {  	_ =	shalt  }
0x87: {  	_ =	shalt  }
.Lfunc_end0:
.L_simem_size_0:
called_computation.1_lowered:
.L_overlay_start_0:
0x88: {  	s2 =	sld [smem:$0x3FD9]  }
0x89: {  	s3 =	sld [smem:$0x3FFE];
	_ =	sdelay $0x1  }
0x8a: {  	s1 =	srdreg.scid  }
0x8b: {  	s0 =	sand.u32 $0x1, s1  }
0x8c: {  	s17 =	sshll.u32 s0, $0xA;
	s2 =	sadd.s32 s3, s2  }
0x8d: {  	s2 =	sadd.s32 s2, s17  }
0x8e: {  	[smem:$0x3FC6] =	sst s2  }
0x8f: {  	_ = 	snop  }
0x90: {  	s2 =	sld [smem:$0x3FD0];
	(tm) =	ssettm $0x1  }
0x91: {  	s18 =	sld [smem:$0x3FFB];
	_ =	sdelay $0x3  }
0x92: {  	_ =	strace s18  }
0x93: {  	s3 =	sld [smem:$0x3FFC];
	_ =	sdelay $0x3  }
0x94: {  	_ =	strace s3  }
0x95: {  	s3 =	sld [smem:$0x3FFD];
	_ =	sdelay $0x3  }
0x96: {  	_ =	strace s3  }
0x97: {  	_ =	strace $0x8FFFFFFF  }
0x98: {  	s19 =	sld [smem:$0x3FDB];
	_ =	sdelay $0x1  }
0x99: {  	s4 =	simm.s32 $_scs_section_size  }
0x9a: {  	s5 =	simm.s32 $_size__tile_overlayer_lowered;
	s6 =	simm.s32 $_tile_overlayer_lowered  }
0x9b: {  	s22 =	simm.s32 $0x1BFF;
	s21 =	sshll.u32 s6, $0x1;
	s3 =	sadd.s32 s4, s19  }
0x9c: {  	s7 =	simm.s32 $0x0;
	s20 =	sshll.u32 s5, $0x1;
	s5 =	sadd.s32 s21, s3  }
0x9d: {  	[timem:s7], [sflag:s22] =	dma.local [hbm:s5], s20  }
0x9e: {  	_ =	swait.ge [sflag:s22], s20  }
0x9f: {  	s4 =	ssub.s32 $0x0, s20;
	[sflag:s22] =	ssyncset.done $0x0  }
0xa0: {  	[sflag:s22] =	ssyncadd.s32 s4;
	_ =	sdelay $0x1  }
0xa1: {  	s23 =	simm.s32 $0x1B8B  }
0xa2: {  	_ =	swait.ge [sflag:s23], $0x1  }
0xa3: {  	[sflag:s23] =	ssyncset.done $0x0  }
0xa4: {  	s25 =	simm.s32 $0x1B8E;
	s24 =	sld [smem:$0x3FFE];
	[sflag:s23] =	ssyncadd.s32 $0xFFFFFFFF  }
0xa5: {  	s26 =	simm.s32 $execute0_lowered;
	[smem:$0x3FD2] =	sst s25  }
0xa6: {  	s5 =	sshll.u32 s26, $0x1;
	_ =	strace $0x80000046;
	[dreg:$0x1] =	wrdreg $0xFFFFFFFF  }
0xa7: {  	s28 =	simm.s32 $_size_execute0_lowered;
	s3 =	sadd.s32 s3, s5;
	[dreg:$0x0] =	wrdreg $0x0  }
0xa8: {  	s5 =	sshll.u32 s28, $0x1;
	[dreg:$0x2] =	wrdreg s3  }
0xa9: {  	[dreg:$0x3] =	wrdreg s5  }
0xaa: {  	[dreg:$0x4] =	wrdreg $0xC0  }
0xab: {  	_ =	task [dreg:s7], $0x5FFFF  }
0xac: {  	[dreg:$0x1] =	wrdreg $0xFFFFFFFF  }
0xad: {  	[dreg:$0x0] =	wrdreg $0x60  }
0xae: {  	[dreg:$0x2] =	wrdreg s24  }
0xaf: {  	[dreg:$0x3] =	wrdreg s2  }
0xb0: {  	[dreg:$0x4] =	wrdreg $0x9  }
0xb1: {  	_ =	task.clear_ibuf [dreg:s7], $0x5FFFF;
	_ =	strace $0x90000046  }
0xb2: {  	s29 =	simm.s32 $0x9;
	_ =	strace $0x80000048  }
0xb3: {  	_ =	swait.ge [sflag:s29], $0x1  }
0xb4: {  	[sflag:s29] =	ssyncadd.s32 $0xFFFFFFFF  }
0xb5: {  	_ =	strace $0x90000048  }
0xb6: {  	_ =	sfence  }
0xb7: {  	s30 =	sld [smem:$0x0];
	_ =	sdelay $0x2  }
0xb8: {  	s31 =	sshll.u32 s1, $0xD;
	s1 =	sshrl.u32 s1, $0x2  }
0xb9: {  	s3 =	sand.u32 $0x4000, s31;
	s1 =	sadd.s32 s1, s30  }
0xba: {  	s0 =	sor.u32 s3, s0;
	s1 =	sshll.u32 s1, $0x11  }
0xbb: {  	s0 =	sor.u32 s1, s0  }
0xbc: {  	s0 =	sadd.s32 $0x8F2B, s0  }
0xbd: {  	[sflag:s0] =	ssyncadd.remote.s32 $0x1  }
0xbe: {  	_ =	sfence.sel $0xFFFF  }
0xbf: {  	[dreg:$0x0] =	wrdreg $0xFFFFFFFF;
	(pc) =	sbr.abs _section_cstart, $3  }
0xc0: {  	[dreg:$0x1] =	wrdreg $0xFFFFFFFF  }
0xc1: {  	_ =	task.clear_ibuf [dreg:s7], $0x2FFFF;
	_ =	strace $0x9FFFFFFF  }
0xc2: {  	(tm) =	ssettm $0x7FFFFFFF  }
0xc3: {  	_ =	shalt  }
tec
execute0_lowered:
.L_overlay_start_1:
0x0: {  	(tag) =	ssettag $0x1  }
0x1: {  	s0 =	rddreg [dreg:$0x0]  }
0x2: {  	s1 =	rddreg [dreg:$0x1];
	s2 =	simm.s32 $0x0;
	s6 =	srdreg.scid  }
0x3: {  	s3 =	stileid.u32;
	s11 =	simm.s32 $0xC9A0;
	s12 =	simm.s32 $0x2  }
0x4: {  	s13 =	simm.s32 $0xD620;
	s14 =	simm.s32 $0x64;
	s15 =	simm.s32 $0x1A0  }
0x5: {  	s16 =	simm.s32 $0x68;
	s17 =	simm.s32 $0x1AA0;
	s18 =	simm.s32 $0xD0  }
0x6: {  	s19 =	simm.s32 $0x33A0;
	s20 =	simm.s32 $0x138;
	s21 =	simm.s32 $0x4CA0  }
0x7: {  	s22 =	simm.s32 $0x1;
	s23 =	simm.s32 $0x65A0;
	s24 =	simm.s32 $0x0  }
0x8: {  	[smem:$0x7FF] =	sst s2;
	s4 =	sadd.s32 $0xE00, s0;
	s8 =	sand.u32 $0x1, s6  }
0x9: {  	s5 =	sadd.s32 $0x7800, s0;
	s6 =	sadd.s32 $0x7600, s0;
	s9 =	ssub.s32 $0x2, s8  }
0xa: {  	s10 =	sshll.u32 s3, $0x1;
	s7 =	sadd.s32 $0xF43200, s0;
	s31 =	sshrl.u32 s9, $0x1  }
0xb: {  	_ =	strace $0x80000047;
	s10 =	sor.u32 s8, s10;
	s0 =	ssub.s32 s9, s31  }
0xc: {  	s8 =	sshll.u32 s10, $0x6;
	s9 =	smul.u32 $0x64000, s10;
	s10 =	smax.u32 s0, $0x1  }
.LBB2_1:
0xd: {  	[tilespmem:s11], [sflag:$0x2] =	stream.linear.gather [hbm4b:s5+s2], $0xC80, $0x38;
	[tilespmem:$0xE2A0] =	vst v63  }
0xe: {  	_ =	swait.ge [sflag:s12], $0xC80  }
0xf: {  	[sflag:s12] =	ssyncset.done $0x0  }
0x10: {  	[sflag:s12] =	ssyncadd.s32 $0xFFFFF380  }
0x11: {  	[tilespmem:s13], [sflag:$0x2] =	stream.linear.gather [hbm4b:s6+s2], $0xC80, $0x38;
	[tilespmem:$0xE2A0] =	vst v63  }
0x12: {  	_ =	swait.ge [sflag:s12], $0xC80  }
0x13: {  	[sflag:s12] =	ssyncset.done $0x0  }
0x14: {  	s25 =	simm.s32 $0x0;
	[sflag:s12] =	ssyncadd.s32 $0xFFFFF380  }
.LBB2_2:
0x15: {  	s0 =	sshll.u32 s25, $0x2  }
0x16: {  	s0 =	sadd.s32 s8, s0  }
0x17: {  	s0 =	smul.u32 $0xD, s0;
	_ =	sdelay $0x1  }
0x18: {  	s26 =	simm.s32 $0x0;
	s0 =	sadd.s32 s4, s0  }
0x19: {  	[tilespmem:s26], [sflag:$0x2] =	stream.linear.gather [hbm4b:s0+s26], $0x1A0, $0x38;
	[tilespmem:$0xE2A0] =	vst v63  }
0x1a: {  	_ =	swait.ge [sflag:s12], $0x1A0  }
0x1b: {  	[sflag:s12] =	ssyncset.done $0x0  }
0x1c: {  	[sflag:s12] =	ssyncadd.s32 $0xFFFFFE60  }
0x1d: {  	[tilespmem:s15], [sflag:$0x1] =	stream.indirect.gather [hbm4b:s7+s14], $0x40, s26, s14, $0xb8;
	[tilespmem:$0xE2A0] =	vst v63  }
0x1e: {  	_ = 	snop  }
0x1f: {  	[tilespmem:s17], [sflag:$0x1] =	stream.indirect.gather [hbm4b:s7+s14], $0x40, s16, s14, $0xb8;
	[tilespmem:$0xE2A0] =	vst v63  }
0x20: {  	_ = 	snop  }
0x21: {  	[tilespmem:s19], [sflag:$0x1] =	stream.indirect.gather [hbm4b:s7+s14], $0x40, s18, s14, $0xb8;
	[tilespmem:$0xE2A0] =	vst v63  }
0x22: {  	_ = 	snop  }
0x23: {  	[tilespmem:s21], [sflag:$0x1] =	stream.indirect.gather [hbm4b:s7+s14], $0x40, s20, s14, $0xb8;
	[tilespmem:$0xE2A0] =	vst v63  }
0x24: {  	_ =	swait.ge [sflag:s22], $0x1900  }
0x25: {  	[sflag:s22] =	ssyncset.done $0x0  }
0x26: {  	[sflag:s22] =	ssyncadd.s32 $0xFFFFE700  }
0x27: {  	_ =	swait.ge [sflag:s22], $0x1900  }
0x28: {  	[sflag:s22] =	ssyncset.done $0x0  }
0x29: {  	[sflag:s22] =	ssyncadd.s32 $0xFFFFE700  }
0x2a: {  	_ =	swait.ge [sflag:s22], $0x1900  }
0x2b: {  	[sflag:s22] =	ssyncset.done $0x0  }
0x2c: {  	[sflag:s22] =	ssyncadd.s32 $0xFFFFE700  }
0x2d: {  	_ =	swait.ge [sflag:s22], $0x1900  }
0x2e: {  	[sflag:s22] =	ssyncset.done $0x0  }
0x2f: {  	s28 =	simm.s32 $0x0;
	[sflag:s22] =	ssyncadd.s32 $0xFFFFE700  }
0x30: {  	v0 =	vld [tilespmem:s28+$0xC9A0]  }
0x31: {  	v1 =	vld [tilespmem:s28+$0xD620];
	_ =	sdelay $0x4  }
0x32: {  	v2 =	vand.u32 $0xFFFFFFF8, v1;
	v0 =	vshll.u32 v0, $0x6  }
0x33: {  	s26 =	simm.s32 $0x10;
	v1 =	vand.u32 $0x7, v1;
	v0 =	vadd.s32 v0, v2  }
0x34: {  	v3 =	vld [tilespmem:s26+$0xC9A0];
	v0 =	vor.u32 v1, v0  }
0x35: {  	v2 =	vld [tilespmem:s26+$0xD620];
	_ =	sdelay $0x3  }
0x36: {  	v0 =	vld.idx.msk [tilespmem:v0+s15+$0x0], $0xffff  }
0x37: {  	v3 =	vshll.u32 v3, $0x6;
	v1 =	vand.u32 $0xFFFFFFF8, v2  }
0x38: {  	v2 =	vand.u32 $0x7, v2;
	v1 =	vadd.s32 v3, v1  }
0x39: {  	s30 =	simm.s32 $0x20;
	v2 =	vor.u32 v2, v1  }
0x3a: {  	s31 =	simm.s32 $0xC0;
	s29 =	simm.s32 $0x10;
	s0 =	simm.s32 $0x0;
	v1 =	vld [tilespmem:s30+$0xC9A0]  }
.LBB2_3:
0x3b: {  	p0 =	sne.s32 s31, $0x31C0;
	v3 =	vld [tilespmem:s30+$0xD620];
	v0 =	vmul.f32 $8.000000000e+00, v0;
	_ =	sdelay $0x1  }
0x3c: {  	[tilespmem:s0+$0x65A0] =	vst v0;
	s0 =	smov.u32 s29;
	s29 =	smov.u32 s30  }
0x3d: {  	v0 =	vld.idx.msk [tilespmem:v2+s15+$0x0], $0xffff  }
.Ltmp0:
0x3e: {  	(pc) =	sbr.rel @p0 .LBB2_3-.Ltmp0, $4  }
0x3f: {  	v1 =	vshll.u32 v1, $0x6;
	v2 =	vand.u32 $0xFFFFFFF8, v3  }
0x40: {  	v3 =	vand.u32 $0x7, v3;
	v1 =	vadd.s32 v1, v2  }
0x41: {  	s30 =	sshra.s32 s31, $0x2;
	v2 =	vor.u32 v3, v1  }
0x42: {  	s31 =	sadd.s32 $0x40, s31;
	v1 =	vld [tilespmem:s30+$0xC9A0]  }
0x43: {  	v3 =	vld [tilespmem:s30+$0xD620]  }
0x44: {  	v0 =	vmul.f32 $8.000000000e+00, v0;
	_ =	sdelay $0x1  }
0x45: {  	[tilespmem:s0+$0x65A0] =	vst v0  }
0x46: {  	v0 =	vld.idx.msk [tilespmem:v2+s15+$0x0], $0xffff  }
0x47: {  	v1 =	vshll.u32 v1, $0x6;
	v2 =	vand.u32 $0xFFFFFFF8, v3  }
0x48: {  	v3 =	vand.u32 $0x7, v3;
	v1 =	vadd.s32 v1, v2  }
0x49: {  	v1 =	vor.u32 v3, v1;
	_ =	sdelay $0x1  }
0x4a: {  	v0 =	vmul.f32 $8.000000000e+00, v0;
	_ =	sdelay $0x1  }
0x4b: {  	[tilespmem:s29+$0x65A0] =	vst v0  }
0x4c: {  	v0 =	vld.idx.msk [tilespmem:v1+s15+$0x0], $0xffff;
	_ =	sdelay $0x4  }
0x4d: {  	v0 =	vmul.f32 $8.000000000e+00, v0;
	_ =	sdelay $0x1  }
0x4e: {  	[tilespmem:s30+$0x65A0] =	vst v0  }
0x4f: {  	v0 =	vld [tilespmem:s28+$0xC9A0]  }
0x50: {  	v1 =	vld [tilespmem:s28+$0xD620];
	_ =	sdelay $0x4  }
0x51: {  	v2 =	vand.u32 $0xFFFFFFF8, v1;
	v0 =	vshll.u32 v0, $0x6  }
0x52: {  	v1 =	vand.u32 $0x7, v1;
	v0 =	vadd.s32 v2, v0  }
0x53: {  	v3 =	vld [tilespmem:s26+$0xC9A0];
	v0 =	vor.u32 v1, v0  }
0x54: {  	v2 =	vld [tilespmem:s26+$0xD620];
	v0 =	vadd.s32 $0xC80, v0;
	_ =	sdelay $0x4  }
0x55: {  	v3 =	vshll.u32 v3, $0x6;
	v1 =	vand.u32 $0xFFFFFFF8, v2;
	v0 =	vld.idx.msk [tilespmem:v0+s15+$0x0], $0xffff  }
0x56: {  	v2 =	vand.u32 $0x7, v2;
	v1 =	vadd.s32 v1, v3  }
0x57: {  	s29 =	simm.s32 $0x20;
	v2 =	vor.u32 v2, v1  }
0x58: {  	s0 =	simm.s32 $0xC0;
	v1 =	vld [tilespmem:s29+$0xC9A0];
	v2 =	vadd.s32 $0xC80, v2  }
.LBB2_5:
0x59: {  	p0 =	sne.s32 s0, $0x31C0;
	v3 =	vld [tilespmem:s29+$0xD620]  }
0x5a: {  	v0 =	vmul.f32 $8.000000000e+00, v0;
	_ =	sdelay $0x1  }
0x5b: {  	[tilespmem:s28+$0x7220] =	vst v0;
	s28 =	smov.u32 s26;
	s26 =	smov.u32 s29  }
.Ltmp1:
0x5c: {  	v0 =	vld.idx.msk [tilespmem:v2+s15+$0x0], $0xffff;
	(pc) =	sbr.rel @p0 .LBB2_5-.Ltmp1, $4  }
0x5d: {  	v1 =	vshll.u32 v1, $0x6;
	v2 =	vand.u32 $0xFFFFFFF8, v3  }
0x5e: {  	v3 =	vand.u32 $0x7, v3;
	v1 =	vadd.s32 v2, v1  }
0x5f: {  	s29 =	sshra.s32 s0, $0x2;
	v2 =	vor.u32 v3, v1  }
0x60: {  	s0 =	sadd.s32 $0x40, s0;
	v1 =	vld [tilespmem:s29+$0xC9A0];
	v2 =	vadd.s32 $0xC80, v2  }
0x61: {  	v3 =	vld [tilespmem:s29+$0xD620];
	_ =	sdelay $0x1  }
0x62: {  	v0 =	vmul.f32 $8.000000000e+00, v0;
	_ =	sdelay $0x1  }
0x63: {  	[tilespmem:s28+$0x7220] =	vst v0  }
0x64: {  	v0 =	vld.idx.msk [tilespmem:v2+s15+$0x0], $0xffff;
	v1 =	vshll.u32 v1, $0x6;
	v2 =	vand.u32 $0xFFFFFFF8, v3  }
0x65: {  	v3 =	vand.u32 $0x7, v3;
	v1 =	vadd.s32 v2, v1  }
0x66: {  	v1 =	vor.u32 v3, v1  }
0x67: {  	v1 =	vadd.s32 $0xC80, v1;
	_ =	sdelay $0x1  }
0x68: {  	v0 =	vmul.f32 $8.000000000e+00, v0;
	_ =	sdelay $0x1  }
0x69: {  	[tilespmem:s26+$0x7220] =	vst v0  }
0x6a: {  	v0 =	vld.idx.msk [tilespmem:v1+s15+$0x0], $0xffff;
	_ =	sdelay $0x4  }
0x6b: {  	v0 =	vmul.f32 $8.000000000e+00, v0;
	_ =	sdelay $0x1  }
0x6c: {  	s28 =	simm.s32 $0x0;
	[tilespmem:s29+$0x7220] =	vst v0  }
0x6d: {  	v0 =	vld [tilespmem:s28+$0xC9A0]  }
0x6e: {  	v1 =	vld [tilespmem:s28+$0xD620];
	_ =	sdelay $0x4  }
0x6f: {  	v2 =	vand.u32 $0xFFFFFFF8, v1;
	v0 =	vshll.u32 v0, $0x6  }
0x70: {  	s26 =	simm.s32 $0x10;
	v1 =	vand.u32 $0x7, v1;
	v0 =	vadd.s32 v2, v0  }
0x71: {  	v3 =	vld [tilespmem:s26+$0xC9A0];
	v0 =	vor.u32 v1, v0  }
0x72: {  	v2 =	vld [tilespmem:s26+$0xD620];
	v0 =	vadd.s32 $0x1900, v0;
	_ =	sdelay $0x4  }
0x73: {  	v3 =	vshll.u32 v3, $0x6;
	v1 =	vand.u32 $0xFFFFFFF8, v2;
	v0 =	vld.idx.msk [tilespmem:v0+s15+$0x0], $0xffff  }
0x74: {  	v2 =	vand.u32 $0x7, v2;
	v1 =	vadd.s32 v1, v3  }
0x75: {  	s30 =	simm.s32 $0x20;
	v2 =	vor.u32 v2, v1  }
0x76: {  	s0 =	simm.s32 $0xC0;
	s31 =	simm.s32 $0x0;
	s29 =	simm.s32 $0x10;
	v1 =	vld [tilespmem:s30+$0xC9A0];
	v2 =	vadd.s32 $0x1900, v2  }
.LBB2_7:
0x77: {  	p0 =	sne.s32 s0, $0x31C0;
	v3 =	vld [tilespmem:s30+$0xD620]  }
0x78: {  	v0 =	vmul.f32 $8.000000000e+00, v0;
	_ =	sdelay $0x1  }
0x79: {  	[tilespmem:s31+$0x7EA0] =	vst v0;
	s31 =	smov.u32 s29;
	s29 =	smov.u32 s30  }
.Ltmp2:
0x7a: {  	v0 =	vld.idx.msk [tilespmem:v2+s15+$0x0], $0xffff;
	(pc) =	sbr.rel @p0 .LBB2_7-.Ltmp2, $4  }
0x7b: {  	v1 =	vshll.u32 v1, $0x6;
	v2 =	vand.u32 $0xFFFFFFF8, v3  }
0x7c: {  	v3 =	vand.u32 $0x7, v3;
	v1 =	vadd.s32 v2, v1  }
0x7d: {  	s30 =	sshra.s32 s0, $0x2;
	v2 =	vor.u32 v3, v1  }
0x7e: {  	s0 =	sadd.s32 $0x40, s0;
	v1 =	vld [tilespmem:s30+$0xC9A0];
	v2 =	vadd.s32 $0x1900, v2  }
0x7f: {  	v3 =	vld [tilespmem:s30+$0xD620];
	_ =	sdelay $0x1  }
0x80: {  	v0 =	vmul.f32 $8.000000000e+00, v0;
	_ =	sdelay $0x1  }
0x81: {  	[tilespmem:s31+$0x7EA0] =	vst v0  }
0x82: {  	v0 =	vld.idx.msk [tilespmem:v2+s15+$0x0], $0xffff;
	v1 =	vshll.u32 v1, $0x6;
	v2 =	vand.u32 $0xFFFFFFF8, v3  }
0x83: {  	v3 =	vand.u32 $0x7, v3;
	v1 =	vadd.s32 v2, v1  }
0x84: {  	v1 =	vor.u32 v3, v1  }
0x85: {  	v1 =	vadd.s32 $0x1900, v1;
	_ =	sdelay $0x1  }
0x86: {  	v0 =	vmul.f32 $8.000000000e+00, v0;
	_ =	sdelay $0x1  }
0x87: {  	[tilespmem:s29+$0x7EA0] =	vst v0  }
0x88: {  	v0 =	vld.idx.msk [tilespmem:v1+s15+$0x0], $0xffff;
	_ =	sdelay $0x4  }
0x89: {  	v0 =	vmul.f32 $8.000000000e+00, v0;
	_ =	sdelay $0x1  }
0x8a: {  	[tilespmem:s30+$0x7EA0] =	vst v0  }
0x8b: {  	v0 =	vld [tilespmem:s28+$0xC9A0]  }
0x8c: {  	v1 =	vld [tilespmem:s28+$0xD620];
	_ =	sdelay $0x4  }
0x8d: {  	v2 =	vand.u32 $0xFFFFFFF8, v1;
	v0 =	vshll.u32 v0, $0x6  }
0x8e: {  	v1 =	vand.u32 $0x7, v1;
	v0 =	vadd.s32 v2, v0  }
0x8f: {  	v3 =	vld [tilespmem:s26+$0xC9A0];
	v0 =	vor.u32 v1, v0  }
0x90: {  	v2 =	vld [tilespmem:s26+$0xD620];
	v0 =	vadd.s32 $0x2580, v0;
	_ =	sdelay $0x4  }
0x91: {  	v3 =	vshll.u32 v3, $0x6;
	v1 =	vand.u32 $0xFFFFFFF8, v2;
	v0 =	vld.idx.msk [tilespmem:v0+s15+$0x0], $0xffff  }
0x92: {  	v2 =	vand.u32 $0x7, v2;
	v1 =	vadd.s32 v1, v3  }
0x93: {  	s29 =	simm.s32 $0x20;
	v2 =	vor.u32 v2, v1  }
0x94: {  	s0 =	simm.s32 $0xC0;
	v1 =	vld [tilespmem:s29+$0xC9A0];
	v2 =	vadd.s32 $0x2580, v2  }
.LBB2_9:
0x95: {  	p0 =	sne.s32 s0, $0x31C0;
	v3 =	vld [tilespmem:s29+$0xD620]  }
0x96: {  	v0 =	vmul.f32 $8.000000000e+00, v0;
	_ =	sdelay $0x1  }
0x97: {  	[tilespmem:s28+$0x8B20] =	vst v0;
	s28 =	smov.u32 s26;
	s26 =	smov.u32 s29  }
.Ltmp3:
0x98: {  	v0 =	vld.idx.msk [tilespmem:v2+s15+$0x0], $0xffff;
	(pc) =	sbr.rel @p0 .LBB2_9-.Ltmp3, $4  }
0x99: {  	v1 =	vshll.u32 v1, $0x6;
	v2 =	vand.u32 $0xFFFFFFF8, v3  }
0x9a: {  	v3 =	vand.u32 $0x7, v3;
	v1 =	vadd.s32 v2, v1  }
0x9b: {  	s29 =	sshra.s32 s0, $0x2;
	v2 =	vor.u32 v3, v1  }
0x9c: {  	s0 =	sadd.s32 $0x40, s0;
	v1 =	vld [tilespmem:s29+$0xC9A0];
	v2 =	vadd.s32 $0x2580, v2  }
0x9d: {  	v3 =	vld [tilespmem:s29+$0xD620];
	_ =	sdelay $0x1  }
0x9e: {  	v0 =	vmul.f32 $8.000000000e+00, v0;
	_ =	sdelay $0x1  }
0x9f: {  	[tilespmem:s28+$0x8B20] =	vst v0  }
0xa0: {  	v0 =	vld.idx.msk [tilespmem:v2+s15+$0x0], $0xffff;
	v1 =	vshll.u32 v1, $0x6;
	v2 =	vand.u32 $0xFFFFFFF8, v3  }
0xa1: {  	v3 =	vand.u32 $0x7, v3;
	v1 =	vadd.s32 v2, v1  }
0xa2: {  	v1 =	vor.u32 v3, v1  }
0xa3: {  	v1 =	vadd.s32 $0x2580, v1;
	_ =	sdelay $0x1  }
0xa4: {  	v0 =	vmul.f32 $8.000000000e+00, v0;
	_ =	sdelay $0x1  }
0xa5: {  	[tilespmem:s26+$0x8B20] =	vst v0  }
0xa6: {  	v0 =	vld.idx.msk [tilespmem:v1+s15+$0x0], $0xffff;
	_ =	sdelay $0x4  }
0xa7: {  	v0 =	vmul.f32 $8.000000000e+00, v0;
	_ =	sdelay $0x1  }
0xa8: {  	s28 =	simm.s32 $0x0;
	[tilespmem:s29+$0x8B20] =	vst v0  }
0xa9: {  	v0 =	vld [tilespmem:s28+$0xC9A0]  }
0xaa: {  	v1 =	vld [tilespmem:s28+$0xD620];
	_ =	sdelay $0x4  }
0xab: {  	v2 =	vand.u32 $0xFFFFFFF8, v1;
	v0 =	vshll.u32 v0, $0x6  }
0xac: {  	s26 =	simm.s32 $0x10;
	v1 =	vand.u32 $0x7, v1;
	v0 =	vadd.s32 v2, v0  }
0xad: {  	v3 =	vld [tilespmem:s26+$0xC9A0];
	v0 =	vor.u32 v1, v0  }
0xae: {  	v2 =	vld [tilespmem:s26+$0xD620];
	v0 =	vadd.s32 $0x3200, v0;
	_ =	sdelay $0x4  }
0xaf: {  	v3 =	vshll.u32 v3, $0x6;
	v1 =	vand.u32 $0xFFFFFFF8, v2;
	v0 =	vld.idx.msk [tilespmem:v0+s15+$0x0], $0xffff  }
0xb0: {  	v2 =	vand.u32 $0x7, v2;
	v1 =	vadd.s32 v1, v3  }
0xb1: {  	s30 =	simm.s32 $0x20;
	v2 =	vor.u32 v2, v1  }
0xb2: {  	s0 =	simm.s32 $0xC0;
	s31 =	simm.s32 $0x0;
	s29 =	simm.s32 $0x10;
	v1 =	vld [tilespmem:s30+$0xC9A0];
	v2 =	vadd.s32 $0x3200, v2  }
.LBB2_11:
0xb3: {  	p0 =	sne.s32 s0, $0x31C0;
	v3 =	vld [tilespmem:s30+$0xD620]  }
0xb4: {  	v0 =	vmul.f32 $8.000000000e+00, v0;
	_ =	sdelay $0x1  }
0xb5: {  	[tilespmem:s31+$0x97A0] =	vst v0;
	s31 =	smov.u32 s29;
	s29 =	smov.u32 s30  }
.Ltmp4:
0xb6: {  	v0 =	vld.idx.msk [tilespmem:v2+s15+$0x0], $0xffff;
	(pc) =	sbr.rel @p0 .LBB2_11-.Ltmp4, $4  }
0xb7: {  	v1 =	vshll.u32 v1, $0x6;
	v2 =	vand.u32 $0xFFFFFFF8, v3  }
0xb8: {  	v3 =	vand.u32 $0x7, v3;
	v1 =	vadd.s32 v2, v1  }
0xb9: {  	s30 =	sshra.s32 s0, $0x2;
	v2 =	vor.u32 v3, v1  }
0xba: {  	s0 =	sadd.s32 $0x40, s0;
	v1 =	vld [tilespmem:s30+$0xC9A0];
	v2 =	vadd.s32 $0x3200, v2  }
0xbb: {  	v3 =	vld [tilespmem:s30+$0xD620];
	_ =	sdelay $0x1  }
0xbc: {  	v0 =	vmul.f32 $8.000000000e+00, v0;
	_ =	sdelay $0x1  }
0xbd: {  	[tilespmem:s31+$0x97A0] =	vst v0  }
0xbe: {  	v0 =	vld.idx.msk [tilespmem:v2+s15+$0x0], $0xffff;
	v1 =	vshll.u32 v1, $0x6;
	v2 =	vand.u32 $0xFFFFFFF8, v3  }
0xbf: {  	v3 =	vand.u32 $0x7, v3;
	v1 =	vadd.s32 v2, v1  }
0xc0: {  	v1 =	vor.u32 v3, v1  }
0xc1: {  	v1 =	vadd.s32 $0x3200, v1;
	_ =	sdelay $0x1  }
0xc2: {  	v0 =	vmul.f32 $8.000000000e+00, v0;
	_ =	sdelay $0x1  }
0xc3: {  	[tilespmem:s29+$0x97A0] =	vst v0  }
0xc4: {  	v0 =	vld.idx.msk [tilespmem:v1+s15+$0x0], $0xffff;
	_ =	sdelay $0x4  }
0xc5: {  	v0 =	vmul.f32 $8.000000000e+00, v0;
	_ =	sdelay $0x1  }
0xc6: {  	[tilespmem:s30+$0x97A0] =	vst v0  }
0xc7: {  	v0 =	vld [tilespmem:s28+$0xC9A0]  }
0xc8: {  	v1 =	vld [tilespmem:s28+$0xD620];
	_ =	sdelay $0x4  }
0xc9: {  	v2 =	vand.u32 $0xFFFFFFF8, v1;
	v0 =	vshll.u32 v0, $0x6  }
0xca: {  	v1 =	vand.u32 $0x7, v1;
	v0 =	vadd.s32 v2, v0  }
0xcb: {  	v3 =	vld [tilespmem:s26+$0xC9A0];
	v0 =	vor.u32 v1, v0  }
0xcc: {  	v2 =	vld [tilespmem:s26+$0xD620];
	v0 =	vadd.s32 $0x3E80, v0;
	_ =	sdelay $0x4  }
0xcd: {  	v3 =	vshll.u32 v3, $0x6;
	v1 =	vand.u32 $0xFFFFFFF8, v2;
	v0 =	vld.idx.msk [tilespmem:v0+s15+$0x0], $0xffff  }
0xce: {  	v2 =	vand.u32 $0x7, v2;
	v1 =	vadd.s32 v1, v3  }
0xcf: {  	s29 =	simm.s32 $0x20;
	v2 =	vor.u32 v2, v1  }
0xd0: {  	s0 =	simm.s32 $0xC0;
	v1 =	vld [tilespmem:s29+$0xC9A0];
	v2 =	vadd.s32 $0x3E80, v2  }
.LBB2_13:
0xd1: {  	p0 =	sne.s32 s0, $0x31C0;
	v3 =	vld [tilespmem:s29+$0xD620]  }
0xd2: {  	v0 =	vmul.f32 $8.000000000e+00, v0;
	_ =	sdelay $0x1  }
0xd3: {  	[tilespmem:s28+$0xA420] =	vst v0;
	s28 =	smov.u32 s26;
	s26 =	smov.u32 s29  }
.Ltmp5:
0xd4: {  	v0 =	vld.idx.msk [tilespmem:v2+s15+$0x0], $0xffff;
	(pc) =	sbr.rel @p0 .LBB2_13-.Ltmp5, $4  }
0xd5: {  	v1 =	vshll.u32 v1, $0x6;
	v2 =	vand.u32 $0xFFFFFFF8, v3  }
0xd6: {  	v3 =	vand.u32 $0x7, v3;
	v1 =	vadd.s32 v2, v1  }
0xd7: {  	s29 =	sshra.s32 s0, $0x2;
	v2 =	vor.u32 v3, v1  }
0xd8: {  	s0 =	sadd.s32 $0x40, s0;
	v1 =	vld [tilespmem:s29+$0xC9A0];
	v2 =	vadd.s32 $0x3E80, v2  }
0xd9: {  	v3 =	vld [tilespmem:s29+$0xD620];
	_ =	sdelay $0x1  }
0xda: {  	v0 =	vmul.f32 $8.000000000e+00, v0;
	_ =	sdelay $0x1  }
0xdb: {  	[tilespmem:s28+$0xA420] =	vst v0  }
0xdc: {  	v0 =	vld.idx.msk [tilespmem:v2+s15+$0x0], $0xffff;
	v1 =	vshll.u32 v1, $0x6;
	v2 =	vand.u32 $0xFFFFFFF8, v3  }
0xdd: {  	v3 =	vand.u32 $0x7, v3;
	v1 =	vadd.s32 v2, v1  }
0xde: {  	v1 =	vor.u32 v3, v1  }
0xdf: {  	v1 =	vadd.s32 $0x3E80, v1;
	_ =	sdelay $0x1  }
0xe0: {  	v0 =	vmul.f32 $8.000000000e+00, v0;
	_ =	sdelay $0x1  }
0xe1: {  	[tilespmem:s26+$0xA420] =	vst v0  }
0xe2: {  	v0 =	vld.idx.msk [tilespmem:v1+s15+$0x0], $0xffff;
	_ =	sdelay $0x4  }
0xe3: {  	v0 =	vmul.f32 $8.000000000e+00, v0;
	_ =	sdelay $0x1  }
0xe4: {  	s28 =	simm.s32 $0x0;
	[tilespmem:s29+$0xA420] =	vst v0  }
0xe5: {  	v0 =	vld [tilespmem:s28+$0xC9A0]  }
0xe6: {  	v1 =	vld [tilespmem:s28+$0xD620];
	_ =	sdelay $0x4  }
0xe7: {  	v2 =	vand.u32 $0xFFFFFFF8, v1;
	v0 =	vshll.u32 v0, $0x6  }
0xe8: {  	s26 =	simm.s32 $0x10;
	v1 =	vand.u32 $0x7, v1;
	v0 =	vadd.s32 v2, v0  }
0xe9: {  	v3 =	vld [tilespmem:s26+$0xC9A0];
	v0 =	vor.u32 v1, v0  }
0xea: {  	v2 =	vld [tilespmem:s26+$0xD620];
	v0 =	vadd.s32 $0x4B00, v0;
	_ =	sdelay $0x4  }
0xeb: {  	v3 =	vshll.u32 v3, $0x6;
	v1 =	vand.u32 $0xFFFFFFF8, v2;
	v0 =	vld.idx.msk [tilespmem:v0+s15+$0x0], $0xffff  }
0xec: {  	v2 =	vand.u32 $0x7, v2;
	v1 =	vadd.s32 v1, v3  }
0xed: {  	s30 =	simm.s32 $0x20;
	v2 =	vor.u32 v2, v1  }
0xee: {  	s0 =	simm.s32 $0xC0;
	s31 =	simm.s32 $0x0;
	s29 =	simm.s32 $0x10;
	v1 =	vld [tilespmem:s30+$0xC9A0];
	v2 =	vadd.s32 $0x4B00, v2  }
.LBB2_15:
0xef: {  	p0 =	sne.s32 s0, $0x31C0;
	v3 =	vld [tilespmem:s30+$0xD620]  }
0xf0: {  	v0 =	vmul.f32 $8.000000000e+00, v0;
	_ =	sdelay $0x1  }
0xf1: {  	[tilespmem:s31+$0xB0A0] =	vst v0;
	s31 =	smov.u32 s29;
	s29 =	smov.u32 s30  }
.Ltmp6:
0xf2: {  	v0 =	vld.idx.msk [tilespmem:v2+s15+$0x0], $0xffff;
	(pc) =	sbr.rel @p0 .LBB2_15-.Ltmp6, $4  }
0xf3: {  	v1 =	vshll.u32 v1, $0x6;
	v2 =	vand.u32 $0xFFFFFFF8, v3  }
0xf4: {  	v3 =	vand.u32 $0x7, v3;
	v1 =	vadd.s32 v2, v1  }
0xf5: {  	s30 =	sshra.s32 s0, $0x2;
	v2 =	vor.u32 v3, v1  }
0xf6: {  	s0 =	sadd.s32 $0x40, s0;
	v1 =	vld [tilespmem:s30+$0xC9A0];
	v2 =	vadd.s32 $0x4B00, v2  }
0xf7: {  	v3 =	vld [tilespmem:s30+$0xD620];
	_ =	sdelay $0x1  }
0xf8: {  	v0 =	vmul.f32 $8.000000000e+00, v0;
	_ =	sdelay $0x1  }
0xf9: {  	[tilespmem:s31+$0xB0A0] =	vst v0  }
0xfa: {  	v0 =	vld.idx.msk [tilespmem:v2+s15+$0x0], $0xffff;
	v1 =	vshll.u32 v1, $0x6;
	v2 =	vand.u32 $0xFFFFFFF8, v3  }
0xfb: {  	v3 =	vand.u32 $0x7, v3;
	v1 =	vadd.s32 v2, v1  }
0xfc: {  	v1 =	vor.u32 v3, v1  }
0xfd: {  	v1 =	vadd.s32 $0x4B00, v1;
	_ =	sdelay $0x1  }
0xfe: {  	v0 =	vmul.f32 $8.000000000e+00, v0;
	_ =	sdelay $0x1  }
0xff: {  	[tilespmem:s29+$0xB0A0] =	vst v0  }
0x100: {  	v0 =	vld.idx.msk [tilespmem:v1+s15+$0x0], $0xffff;
	_ =	sdelay $0x4  }
0x101: {  	v0 =	vmul.f32 $8.000000000e+00, v0;
	_ =	sdelay $0x1  }
0x102: {  	[tilespmem:s30+$0xB0A0] =	vst v0  }
0x103: {  	v0 =	vld [tilespmem:s28+$0xC9A0]  }
0x104: {  	v1 =	vld [tilespmem:s28+$0xD620];
	_ =	sdelay $0x4  }
0x105: {  	v2 =	vand.u32 $0xFFFFFFF8, v1;
	v0 =	vshll.u32 v0, $0x6  }
0x106: {  	v1 =	vand.u32 $0x7, v1;
	v0 =	vadd.s32 v2, v0  }
0x107: {  	v3 =	vld [tilespmem:s26+$0xC9A0];
	v0 =	vor.u32 v1, v0  }
0x108: {  	v2 =	vld [tilespmem:s26+$0xD620];
	v0 =	vadd.s32 $0x5780, v0;
	_ =	sdelay $0x4  }
0x109: {  	v3 =	vshll.u32 v3, $0x6;
	v1 =	vand.u32 $0xFFFFFFF8, v2;
	v0 =	vld.idx.msk [tilespmem:v0+s15+$0x0], $0xffff  }
0x10a: {  	v2 =	vand.u32 $0x7, v2;
	v1 =	vadd.s32 v1, v3  }
0x10b: {  	s29 =	simm.s32 $0x20;
	v2 =	vor.u32 v2, v1  }
0x10c: {  	s0 =	simm.s32 $0xC0;
	v1 =	vld [tilespmem:s29+$0xC9A0];
	v2 =	vadd.s32 $0x5780, v2  }
.LBB2_17:
0x10d: {  	p0 =	sne.s32 s0, $0x31C0;
	v3 =	vld [tilespmem:s29+$0xD620]  }
0x10e: {  	v0 =	vmul.f32 $8.000000000e+00, v0;
	_ =	sdelay $0x1  }
0x10f: {  	[tilespmem:s28+$0xBD20] =	vst v0;
	s28 =	smov.u32 s26;
	s26 =	smov.u32 s29  }
.Ltmp7:
0x110: {  	v0 =	vld.idx.msk [tilespmem:v2+s15+$0x0], $0xffff;
	(pc) =	sbr.rel @p0 .LBB2_17-.Ltmp7, $4  }
0x111: {  	v1 =	vshll.u32 v1, $0x6;
	v2 =	vand.u32 $0xFFFFFFF8, v3  }
0x112: {  	v3 =	vand.u32 $0x7, v3;
	v1 =	vadd.s32 v2, v1  }
0x113: {  	s29 =	sshra.s32 s0, $0x2;
	v2 =	vor.u32 v3, v1  }
0x114: {  	s0 =	sadd.s32 $0x40, s0;
	v1 =	vld [tilespmem:s29+$0xC9A0];
	v2 =	vadd.s32 $0x5780, v2  }
0x115: {  	v3 =	vld [tilespmem:s29+$0xD620];
	_ =	sdelay $0x1  }
0x116: {  	v0 =	vmul.f32 $8.000000000e+00, v0;
	_ =	sdelay $0x1  }
0x117: {  	[tilespmem:s28+$0xBD20] =	vst v0  }
0x118: {  	v0 =	vld.idx.msk [tilespmem:v2+s15+$0x0], $0xffff;
	v1 =	vshll.u32 v1, $0x6;
	v63 =	vand.u32 $0xFFFFFFF8, v3  }
0x119: {  	v3 =	vand.u32 $0x7, v3;
	v1 =	vadd.s32 v63, v1  }
0x11a: {  	v1 =	vor.u32 v3, v1  }
0x11b: {  	v1 =	vadd.s32 $0x5780, v1;
	_ =	sdelay $0x1  }
0x11c: {  	v0 =	vmul.f32 $8.000000000e+00, v0;
	_ =	sdelay $0x1  }
0x11d: {  	[tilespmem:s26+$0xBD20] =	vst v0  }
0x11e: {  	v0 =	vld.idx.msk [tilespmem:v1+s15+$0x0], $0xffff;
	_ =	sdelay $0x2  }
0x11f: {  	s0 =	smul.u32 $0x6400, s25;
	_ =	sdelay $0x1  }
0x120: {  	s25 =	sadd.s32 $0x1, s25;
	s0 =	sadd.s32 s9, s0;
	v0 =	vmul.f32 $8.000000000e+00, v0  }
0x121: {  	p0 =	sne.s32 s25, $0x10;
	s0 =	sshrl.u32 s0, $0x3  }
.Ltmp8:
0x122: {  	s0 =	sadd.s32 s1, s0;
	[tilespmem:s29+$0xBD20] =	vst v0;
	(pc) =	sbr.rel @p0 .LBB2_2-.Ltmp8, $4  }
0x123: {  	[hbm4b:s0+s2] =	stream.linear.scatter [tilespmem:s23], [sflag:$0x2], $0x6400, $0x38;
	[tilespmem:$0xE2A0] =	vst v63  }
0x124: {  	_ =	swait.ge [sflag:s12], $0x6400  }
0x125: {  	[sflag:s12] =	ssyncset.done $0x0  }
0x126: {  	[sflag:s12] =	ssyncadd.s32 $0xFFFF9C00  }
0x127: {  	s24 =	sadd.s32 $0x1, s24  }
0x128: {  	p0 =	sne.s32 s24, s10  }
.Ltmp9:
0x129: {  	_ = 	snop;
	(pc) =	sbr.rel @p0 .LBB2_1-.Ltmp9, $1  }
0x12a: {  	_ =	sdelay $0x3  }
0x12b: {  	_ =	sfence.sel $0x180000  }
0x12c: {  	[bflag:$0x0] =	sbarrier.arrive $0xFFFF  }
0x12d: {  	_ =	strace $0x90000047  }
0x12e: {  	[bflag:$0x2] =	sbarrier.arrive $0xFFFF  }
0x12f: {  	p0 =	sne.s32 s3, $0x0;
	s0 =	rddreg [dreg:$0x2]  }
0x130: {  	s0 =	sadd.s32 @!p0 $0x100000, s0  }
0x131: {  	[sflag:s0] =	ssyncadd.tile.s32 @!p0 $0x1;
	_ =	shalt  }
.Lfunc_end2:
_tile_overlayer_lowered:
.L_overlay_start_2:
0x132: {  	(tag) =	ssettag $0x2  }
0x133: {  	s0 =	rddreg [dreg:$0x0];
	s2 =	stileid.u32  }
0x134: {  	s1 =	rddreg [dreg:$0x1];
	p0 =	sne.s32 s2, $0x0  }
0x135: {  	s3 =	rddreg [dreg:$0x2];
	[bflag:$0x3] =	sbarrier.arrive $0xFFFF;
	s2 =	simm.s32 @!p0 $0x1C02  }
0x136: {  	[timem:s3], [sflag:s2] =	dma.local @!p0 [hbm:s0], s1  }
0x137: {  	s0 =	simm.s32 @!p0 $0x2  }
0x138: {  	_ =	swait.ge @!p0 [sflag:s0], s1  }
0x139: {  	s1 =	ssub.s32 @!p0 $0x0, s1;
	[sflag:s0] =	ssyncset.done @!p0 $0x0  }
0x13a: {  	[sflag:s0] =	ssyncadd.s32 @!p0 s1  }
0x13b: {  	[bflag:$0x3] =	sbarrier.arrive $0xFFFF  }
0x13c: {  	_ =	shalt  }

// kernel: sparse-core-data-format-call.cloned.1.call-start
scs
called_computation_lowered:
.L_overlay_start_0:
0x0: {  	s2 =	sld [smem:$0x3FD9]  }
0x1: {  	s3 =	sld [smem:$0x3FFE];
	_ =	sdelay $0x1  }
0x2: {  	s1 =	srdreg.scid  }
0x3: {  	s0 =	sand.u32 $0x1, s1  }
0x4: {  	s18 =	sshll.u32 s0, $0xA;
	s2 =	sadd.s32 s3, s2  }
0x5: {  	s2 =	sadd.s32 s2, s18  }
0x6: {  	[smem:$0x3FC6] =	sst s2  }
0x7: {  	_ = 	snop  }
0x8: {  	s2 =	sld [smem:$0x3FD0];
	(tm) =	ssettm $0x1  }
0x9: {  	s19 =	sld [smem:$0x3FFB];
	_ =	sdelay $0x3  }
0xa: {  	_ =	strace s19  }
0xb: {  	s3 =	sld [smem:$0x3FFC];
	_ =	sdelay $0x3  }
0xc: {  	_ =	strace s3  }
0xd: {  	s3 =	sld [smem:$0x3FFD];
	_ =	sdelay $0x3  }
0xe: {  	_ =	strace s3  }
0xf: {  	_ =	strace $0x8FFFFFFF  }
0x10: {  	s20 =	sld [smem:$0x3FDB];
	_ =	sdelay $0x1  }
0x11: {  	s4 =	simm.s32 $_scs_section_size  }
0x12: {  	s5 =	simm.s32 $_size__tile_overlayer_lowered;
	s6 =	simm.s32 $_tile_overlayer_lowered  }
0x13: {  	s23 =	simm.s32 $0x1BFF;
	s22 =	sshll.u32 s6, $0x1;
	s3 =	sadd.s32 s4, s20  }
0x14: {  	s7 =	simm.s32 $0x0;
	s21 =	sshll.u32 s5, $0x1;
	s5 =	sadd.s32 s22, s3  }
0x15: {  	[timem:s7], [sflag:s23] =	dma.local [hbm:s5], s21  }
0x16: {  	_ =	swait.ge [sflag:s23], s21  }
0x17: {  	s4 =	ssub.s32 $0x0, s21;
	[sflag:s23] =	ssyncset.done $0x0  }
0x18: {  	[sflag:s23] =	ssyncadd.s32 s4;
	_ =	sdelay $0x1  }
0x19: {  	s24 =	simm.s32 $0x1B8B  }
0x1a: {  	_ =	swait.ge [sflag:s24], $0x1  }
0x1b: {  	[sflag:s24] =	ssyncset.done $0x0  }
0x1c: {  	s26 =	simm.s32 $0x1B8E;
	s25 =	sld [smem:$0x3FFE];
	[sflag:s24] =	ssyncadd.s32 $0xFFFFFFFF  }
0x1d: {  	s27 =	simm.s32 $execute0_lowered;
	[smem:$0x3FD2] =	sst s26  }
0x1e: {  	s5 =	sshll.u32 s27, $0x1;
	_ =	strace $0x80000049;
	[dreg:$0x1] =	wrdreg $0xFFFFFFFF  }
0x1f: {  	s28 =	simm.s32 $_size_execute0_lowered;
	s3 =	sadd.s32 s3, s5;
	[dreg:$0x0] =	wrdreg $0x0  }
0x20: {  	s5 =	sshll.u32 s28, $0x1;
	[dreg:$0x2] =	wrdreg s3  }
0x21: {  	[dreg:$0x3] =	wrdreg s5  }
0x22: {  	[dreg:$0x4] =	wrdreg $0xC0  }
0x23: {  	_ =	task [dreg:s7], $0x5FFFF  }
0x24: {  	[dreg:$0x1] =	wrdreg $0xFFFFFFFF  }
0x25: {  	[dreg:$0x0] =	wrdreg $0x60  }
0x26: {  	[dreg:$0x2] =	wrdreg s25  }
0x27: {  	[dreg:$0x3] =	wrdreg s2  }
0x28: {  	[dreg:$0x4] =	wrdreg $0x9  }
0x29: {  	_ =	task.clear_ibuf [dreg:s7], $0x5FFFF;
	_ =	strace $0x90000049  }
0x2a: {  	s29 =	simm.s32 $0x9;
	_ =	strace $0x8000004B  }
0x2b: {  	_ =	swait.ge [sflag:s29], $0x1  }
0x2c: {  	[sflag:s29] =	ssyncadd.s32 $0xFFFFFFFF  }
0x2d: {  	_ =	strace $0x9000004B  }
0x2e: {  	_ =	sfence  }
0x2f: {  	s30 =	sld [smem:$0x0];
	_ =	sdelay $0x2  }
0x30: {  	s31 =	sshll.u32 s1, $0xD;
	s1 =	sshrl.u32 s1, $0x2  }
0x31: {  	s3 =	sand.u32 $0x4000, s31;
	s1 =	sadd.s32 s1, s30  }
0x32: {  	s0 =	sor.u32 s3, s0;
	s1 =	sshll.u32 s1, $0x11  }
0x33: {  	s0 =	sor.u32 s1, s0  }
0x34: {  	s0 =	sadd.s32 $0x8F2B, s0  }
0x35: {  	[sflag:s0] =	ssyncadd.remote.s32 $0x1  }
0x36: {  	_ =	sfence.sel $0xFFFF  }
0x37: {  	[dreg:$0x0] =	wrdreg $0xFFFFFFFF;
	(pc) =	sbr.abs _section_cstart, $3  }
0x38: {  	[dreg:$0x1] =	wrdreg $0xFFFFFFFF  }
0x39: {  	_ =	task.clear_ibuf [dreg:s7], $0x2FFFF;
	_ =	strace $0x9FFFFFFF  }
0x3a: {  	(tm) =	ssettm $0x7FFFFFFF  }
0x3b: {  	_ =	shalt  }
tec
execute0_lowered:
.L_overlay_start_1:
0x0: {  	(tag) =	ssettag $0x1  }
0x1: {  	s0 =	srdreg.scid;
	s5 =	rddreg [dreg:$0x0]  }
0x2: {  	s3 =	rddreg [dreg:$0x1];
	s1 =	sshll.u32 s0, $0x4  }
0x3: {  	s7 =	simm.s32 $0x1;
	s0 =	stileid.u32;
	s1 =	sand.u32 $0x10, s1  }
0x4: {  	s8 =	simm.s32 $0x2;
	s15 =	simm.s32 $0x0;
	s1 =	sor.u32 s0, s1  }
0x5: {  	s14 =	simm.s32 $0x0;
	s9 =	simm.s32 $0x0;
	s2 =	sshll.u32 s1, $0x7  }
0x6: {  	s10 =	simm.s32 $0x0;
	s11 =	simm.s32 $0x0;
	s6 =	ssub.s32 $0x1000, s2  }
0x7: {  	s13 =	simm.s32 $0x0;
	s5 =	sadd.s32 $0xE00, s5;
	s4 =	sand.u32 $0xF80, s6  }
.Ltmp0:
0x8: {  	s1 =	rddreg [dreg:$0x2];
	p0 =	sne.s32 s4, $0x0;
	(pc) =	sbr.rel .LBB1_1-.Ltmp0, $4  }
0x9: {  	_ =	strace $0x8000004A;
	s6 =	sshrl.u32 s6, $0xC;
	s7 =	simm.s32 @!p0 $0x0  }
0xa: {  	s12 =	smov.u32 s2;
	s4 =	simm.s32 $0x1;
	s6 =	sadd.s32 s7, s6  }
0xb: {  	[sflag:s4] =	ssyncpa.u1 $0x0;
	p0 =	por $0x0, $0x0;
	s6 =	sshll.u32 s6, $0x6  }
0xc: {  	[sflag:s8] =	ssyncpa.u1 $0x0;
	s8 =	simm.s32 $0x40000;
	s7 =	sor.u32 $0x1, s6  }
.LBB1_4:
0xd: {  	p1 =	sgt.s32 s9, $0x3F;
	s18 =	smov.u32 s9;
	s19 =	sshra.s32 s9, $0x1F  }
0xe: {  	s20 =	sand.u32 $0x78, s10;
	s21 =	sshll.u32 s9, $0xC;
	s31 =	sshra.s32 s10, $0x1F  }
0xf: {  	s23 =	sshll.u32 s10, $0x3;
	s26 =	sshll.u32 s9, $0x7;
	s18 =	simm.s32 @!p1 $0x3F  }
0x10: {  	s19 =	sand.u32 s19, s9;
	p1 =	sgt.s32 s10, $0xF80;
	s21 =	sand.u32 $0x38000, s21  }
0x11: {  	s24 =	sand.u32 $0x3FC00, s23;
	s18 =	ssub.s32 s18, s19;
	s19 =	smov.u32 s10  }
0x12: {  	s23 =	sand.u32 $0xC00, s23;
	s22 =	sadd.s32 $0xFFFFFFC1, s18;
	s19 =	simm.s32 @!p1 $0xF80  }
0x13: {  	s18 =	ssub.s32 $0x40, s18;
	p1 =	sgt.s32 s22, $0x0;
	s22 =	sand.u32 s31, s10  }
0x14: {  	s21 =	sadd.s32 s24, s21;
	s18 =	smul.u32 $0x32, s18;
	s19 =	ssub.s32 s19, s22  }
0x15: {  	s20 =	sor.u32 s20, s23;
	s22 =	sand.u32 $0x380, s26;
	s25 =	sadd.s32 $0xFFFFF080, s19  }
0x16: {  	s18 =	simm.s32 @p1 $0x0;
	s19 =	ssub.s32 $0x1000, s19;
	p1 =	sgt.s32 s25, $0x7F  }
0x17: {  	s21 =	sand.u32 $0x3F000, s21;
	s20 =	sor.u32 s22, s20;
	s19 =	simm.s32 @p1 $0x0  }
0x18: {  	[tilespmem:s17+$0x810 ss:$0x81] =	vst.msk $0xffff, v2;
	s28 =	sand.u32 $0x7, s10;
	s27 =	sor.u32 s21, s20;
	s18 =	smul.u32 s19, s18  }
0x19: {  	[tilespmem:s17+$0x1020 ss:$0x81] =	vst.msk $0xffff, v0;
	s20 =	sshll.u32 s28, $0x12;
	s19 =	sshrl.u32 s27, $0x3  }
0x1a: {  	[tilespmem:s17+$0x0 ss:$0x81] =	vst.msk $0xffff, v1;
	s31 =	sor.u32 $0x80, s20;
	s30 =	sadd.s32 s3, s19;
	s29 =	sand.u32 $0x3FFFFFFE, s18  }
0x1b: {  	[hbm4b:s30+s31] =	stream.strided.scatter [tilespmem:s16], [sflag:$0x2], s29, s8, s31, $0x20;
	[tilespmem:$0x8080] =	vst v63  }
.LBB1_5:
0x1c: {  	p1 =	slt.u32 s13, $0x2  }
0x1d: {  	s17 =	smov.u32 s15;
	p2 =	sgt.s32 @!p1 s15, $0x3F;
	s16 =	sshra.s32 @!p1 s15, $0x1F  }
0x1e: {  	p3 =	sgt.s32 @!p1 s14, $0xF80;
	s18 =	sshra.s32 @!p1 s14, $0x1F;
	p2 =	por !p2, p1  }
0x1f: {  	s15 =	sand.u32 @!p1 s16, s15;
	p3 =	por !p3, p1;
	s16 =	smov.u32 s14  }
0x20: {  	s14 =	sand.u32 @!p1 s18, s14;
	s17 =	simm.s32 @p2 $0x3F;
	s16 =	simm.s32 @p3 $0xF80  }
0x21: {  	s18 =	smov.u32 s12;
	s15 =	ssub.s32 @!p1 s17, s15;
	s14 =	ssub.s32 @!p1 s16, s14  }
0x22: {  	s16 =	sadd.s32 @!p1 $0xFFFFFFC1, s15;
	s15 =	ssub.s32 @!p1 $0x40, s15;
	s17 =	sadd.s32 @!p1 $0xFFFFF080, s14  }
0x23: {  	p2 =	sgt.s32 @!p1 s16, $0x0;
	s15 =	smul.u32 @!p1 $0x32, s15;
	p3 =	sgt.s32 @!p1 s17, $0x7F  }
0x24: {  	s14 =	ssub.s32 @!p1 $0x1000, s14;
	p2 =	por !p2, p1;
	p3 =	por !p3, p1  }
0x25: {  	s16 =	sadd.s32 $0x1, s11;
	s15 =	simm.s32 @!p2 $0x0;
	s14 =	simm.s32 @!p3 $0x0  }
0x26: {  	p2 =	sgt.s32 s16, $0x3F;
	s14 =	smul.u32 @!p1 s14, s15;
	s15 =	sadd.s32 $0x1000, s12  }
0x27: {  	s18 =	smov.u32 @p2 s15  }
0x28: {  	s16 =	simm.s32 @p2 $0x0;
	p2 =	sgt.s32 s18, $0xFFF  }
0x29: {  	s18 =	smov.u32 @p2 s2;
	p2 =	sne.s32 s13, s7  }
.Ltmp1:
0x2a: {  	p0 =	por !p0, !p0;
	s17 =	simm.s32 @!p1 $0x2;
	(pc) =	sbr.rel @!p2 .LBB1_6-.Ltmp1, $4  }
0x2b: {  	s15 =	smov.u32 s9;
	s9 =	smov.u32 s11;
	s14 =	sand.u32 @!p1 $0x3FFFFFFE, s14  }
0x2c: {  	s11 =	smov.u32 s16;
	_ =	swait.ge @!p1 [sflag:s17], s14;
	s19 =	ssub.s32 @!p1 $0x0, s14  }
0x2d: {  	s14 =	smov.u32 s10;
	s13 =	sadd.s32 $0x1, s13;
	[sflag:s17] =	ssyncset.done @!p1 $0x0  }
0x2e: {  	s10 =	smov.u32 s12;
	s12 =	smov.u32 s18;
	[sflag:s17] =	ssyncadd.s32 @!p1 s19  }
.LBB1_1:
0x2f: {  	p1 =	sge.u32 s13, s6  }
0x30: {  	s31 =	sadd.s32 $0xFFFFFFFF, s13;
	s16 =	sxor.u32 @!p1 $0xFFFFFFFF, s13  }
0x31: {  	s17 =	sshll.u32 @!p1 s12, $0xA;
	s18 =	sshll.u32 @!p1 s11, $0x4;
	s19 =	simm.s32 @!p1 $0x2000  }
0x32: {  	s16 =	sshll.u32 @!p1 s16, $0xD;
	s18 =	sand.u32 @!p1 $0x3F0, s18;
	s17 =	sadd.s32 @!p1 s5, s17  }
0x33: {  	s16 =	sand.u32 @!p1 $0x2000, s16;
	s17 =	sadd.s32 @!p1 s18, s17;
	s18 =	simm.s32 @!p1 $0x40  }
0x34: {  	[tilespmem:s16], [sflag:$0x1] =	stream.strided.gather @!p1 [hbm4b:s17+s18], $0x2000, s19, s18, $0x38;
	[tilespmem:$0x8080] =	vst v63  }
0x35: {  	p1 =	sge.u32 s31, s6  }
.Ltmp2:
0x36: {  	_ = 	snop;
	(pc) =	sbr.rel @p1 .LBB1_5-.Ltmp2, $1  }
0x37: {  	_ =	sdelay $0x3  }
0x38: {  	s16 =	simm.s32 $0x1  }
0x39: {  	_ =	swait.ge [sflag:s4], $0x2000;
	s16 =	simm.s32 @!p0 $0x0  }
0x3a: {  	[sflag:s4] =	ssyncset.done $0x0;
	s17 =	sshll.u32 s16, $0xD  }
0x3b: {  	[sflag:s4] =	ssyncadd.s32 $0xFFFFE000;
	s20 =	sor.u32 $0x20, s17  }
0x3c: {  	s16 =	smul.u32 $0x8100, s16;
	v3 =	vld [tilespmem:s20+$0x10]  }
0x3d: {  	s30 =	sand.u32 $0x1, s13;
	v2 =	vld [tilespmem:s20+$0xFFFFFFF0]  }
0x3e: {  	s17 =	smul.u32 $0x8100, s30;
	s16 =	sshrl.u32 s16, $0x2;
	v0 =	vld [tilespmem:s20+$0x0]  }
0x3f: {  	v1 =	vld [tilespmem:s20+$0xFFFFFFE0];
	s18 =	sor.u32 $0x4000, s16  }
0x40: {  	s31 =	sshrl.u32 s17, $0x2;
	s17 =	sadd.s32 $0x0, s18  }
0x41: {  	s19 =	simm.s32 $0x4;
	s20 =	sadd.s32 $0x40, s20;
	s16 =	sor.u32 $0x4000, s31;
	[tilespmem:s17+$0x1830 ss:$0x81] =	vst.msk $0xffff, v3  }
.LBB1_3:
0x42: {  	v3 =	vld [tilespmem:s20+$0x10];
	p1 =	sne.s32 s19, $0x1FC;
	[tilespmem:s17+$0x810 ss:$0x81] =	vst.msk $0xffff, v2;
	s21 =	smov.u32 s19;
	s19 =	sadd.s32 $0x4, s19  }
.Ltmp3:
0x43: {  	v2 =	vld [tilespmem:s20+$0xFFFFFFF0];
	[tilespmem:s17+$0x1020 ss:$0x81] =	vst.msk $0xffff, v0;
	(pc) =	sbr.rel @p1 .LBB1_3-.Ltmp3, $4  }
0x44: {  	v0 =	vld [tilespmem:s20+$0x0];
	[tilespmem:s17+$0x0 ss:$0x81] =	vst.msk $0xffff, v1  }
0x45: {  	s17 =	sshra.s32 s21, $0x2;
	v1 =	vld [tilespmem:s20+$0xFFFFFFE0]  }
0x46: {  	s17 =	sadd.s32 s17, s18  }
0x47: {  	s20 =	sadd.s32 $0x40, s20;
	[tilespmem:s17+$0x1830 ss:$0x81] =	vst.msk $0xffff, v3  }
.Ltmp4:
0x48: {  	_ = 	snop;
	(pc) =	sbr.rel .LBB1_4-.Ltmp4, $1  }
0x49: {  	_ =	sdelay $0x3  }
.LBB1_6:
0x4a: {  	_ =	sfence.sel $0x180000  }
0x4b: {  	s2 =	simm.s32 $0x1;
	[bflag:$0x0] =	sbarrier.arrive $0xFFFF  }
0x4c: {  	s31 =	simm.s32 $0x2;
	[sflag:s2] =	ssyncpa.u1 $0x1  }
0x4d: {  	[sflag:s31] =	ssyncpa.u1 $0x1  }
0x4e: {  	p0 =	sne.s32 s0, $0x0;
	_ =	strace $0x9000004A  }
0x4f: {  	s0 =	sadd.s32 @!p0 $0x100000, s1;
	[bflag:$0x2] =	sbarrier.arrive $0xFFFF  }
0x50: {  	[sflag:s0] =	ssyncadd.tile.s32 @!p0 $0x1;
	_ =	shalt  }
.Lfunc_end1:
_tile_overlayer_lowered:
.L_overlay_start_2:
0x51: {  	(tag) =	ssettag $0x2  }
0x52: {  	s0 =	rddreg [dreg:$0x0];
	s2 =	stileid.u32  }
0x53: {  	s1 =	rddreg [dreg:$0x1];
	p0 =	sne.s32 s2, $0x0  }
0x54: {  	s3 =	rddreg [dreg:$0x2];
	[bflag:$0x3] =	sbarrier.arrive $0xFFFF;
	s2 =	simm.s32 @!p0 $0x1C01  }
0x55: {  	[timem:s3], [sflag:s2] =	dma.local @!p0 [hbm:s0], s1  }
0x56: {  	s0 =	simm.s32 @!p0 $0x1  }
0x57: {  	_ =	swait.ge @!p0 [sflag:s0], s1  }
0x58: {  	s1 =	ssub.s32 @!p0 $0x0, s1;
	[sflag:s0] =	ssyncset.done @!p0 $0x0  }
0x59: {  	[sflag:s0] =	ssyncadd.s32 @!p0 s1  }
0x5a: {  	[bflag:$0x3] =	sbarrier.arrive $0xFFFF  }
0x5b: {  	_ =	shalt  }

</sc_bundles>
